<compile_context>
chip_gen: v7x
topology: tpu7x:2x2x1
jax: 0.10.2.dev20260603
libtpu: 0.0.44.dev20260713+nightly
codegen_flags: <defaults>
</compile_context>

<pallas_src>
import jax
import jax.numpy as jnp
from jax import lax
from jax.experimental import pallas as pl
from jax.experimental.pallas import tpu as pltpu
from jax.experimental.pallas import tpu_sc as plsc

_NC, _NS = 2, 16
_NW = _NC * _NS

_B, _C = 8, 96
_HIN = _WIN = 384
_HOUT = _WOUT = 256
_PLANES = _B * _C
_PPW = _PLANES // _NW
_COUT = 64
_NCH = _PPW * _HOUT // _COUT


def _body(x_hbm, out_hbm, idx0, idx1, rows0, rows1, ob0, ob1,
          gsem0, gsem1, osem0, osem1):
    wid = lax.axis_index("s") * _NC + lax.axis_index("c")
    in0 = (wid * _PPW * _HIN).astype(jnp.int32)
    out0 = (wid * _PPW * _HOUT).astype(jnp.int32)

    iota = lax.iota(jnp.int32, 16)
    colpat = iota + lax.shift_right_logical(iota, 1)

    idx_refs = (idx0, idx1)
    row_bufs = (rows0, rows1)
    out_bufs = (ob0, ob1)
    gsems = (gsem0, gsem1)
    osems = (osem0, osem1)

    def start_in(c, b):
        base = in0 + lax.shift_right_logical(c, 2) * _HIN \
            + lax.bitwise_and(c, 3) * (_COUT * 3 // 2)
        for t in range(_COUT // 16):
            idx_refs[b][pl.ds(16 * t, 16)] = base + 24 * t + colpat
        pltpu.make_async_copy(x_hbm.at[idx_refs[b]], row_bufs[b],
                              gsems[b]).start()

    def wait_in(b):
        pltpu.make_async_copy(x_hbm.at[idx_refs[b]], row_bufs[b],
                              gsems[b]).wait()

    def start_out(c, b):
        pltpu.make_async_copy(out_bufs[b],
                              out_hbm.at[pl.ds(out0 + c * _COUT, _COUT)],
                              osems[b]).start()

    def wait_out(c, b):
        pltpu.make_async_copy(out_bufs[b],
                              out_hbm.at[pl.ds(out0 + c * _COUT, _COUT)],
                              osems[b]).wait()

    def compact(b):
        rows = row_bufs[b]
        ob = out_bufs[b]

        @plsc.parallel_loop(0, _COUT, 1, unroll=2)
        def _row(w):
            wsplat = jnp.full((16,), 0, jnp.int32) + w
            for j in range(_WOUT // 16):
                ob[w, pl.ds(16 * j, 16)] = plsc.load_gather(
                    rows, [wsplat, colpat + 24 * j])

    def step(c, b):
        @pl.when(c + 1 < _NCH)
        def _():
            start_in(c + 1, 1 - b)
        wait_in(b)

        @pl.when(c >= 2)
        def _():
            wait_out(c - 2, b)
        compact(b)
        start_out(c, b)

    start_in(jnp.int32(0), 0)

    def loop_body(t, carry):
        c = (2 * t).astype(jnp.int32)
        step(c, 0)
        step(c + 1, 1)
        return carry

    lax.fori_loop(0, _NCH // 2, loop_body, 0)
    wait_out(jnp.int32(_NCH - 2), 0)
    wait_out(jnp.int32(_NCH - 1), 1)


def kernel(x):
    x2 = x.reshape(_PLANES * _HIN, _WIN)
    mesh = plsc.VectorSubcoreMesh(core_axis_name="c", subcore_axis_name="s",
                                  num_cores=_NC, num_subcores=_NS)
    out = pl.kernel(
        _body,
        out_type=jax.ShapeDtypeStruct((_PLANES * _HOUT, _WOUT), jnp.float32),
        mesh=mesh,
        compiler_params=pltpu.CompilerParams(use_tc_tiling_on_sc=True,
                                             needs_layout_passes=False),
        scratch_types=[
            pltpu.VMEM((_COUT,), jnp.int32),
            pltpu.VMEM((_COUT,), jnp.int32),
            pltpu.VMEM((_COUT, _WIN), jnp.float32),
            pltpu.VMEM((_COUT, _WIN), jnp.float32),
            pltpu.VMEM((_COUT, _WOUT), jnp.float32),
            pltpu.VMEM((_COUT, _WOUT), jnp.float32),
            pltpu.SemaphoreType.DMA,
            pltpu.SemaphoreType.DMA,
            pltpu.SemaphoreType.DMA,
            pltpu.SemaphoreType.DMA,
        ],
    )(x2)
    return out.reshape(_B, _C, _HOUT, _WOUT)

# --- scband reference (transcript-rebuilt; emitter-appended) ---
"""Pipeline reference for scband-resample-13365938225612 (READ-ONLY COPY).

The authoritative reference and input builder live on the scoring server;
editing this copy changes nothing except your own understanding.
"""

import jax, jax.numpy as jnp
import numpy as np

SIZE = 256

def setup_inputs(seed: int = 0) -> dict:
    key = jax.random.key(seed)
    x = jax.random.normal(key, (8, 96, 384, 384), dtype=jnp.float32)
    return {"x": x}

def reference(x):
    H = x.shape[2]
    W = x.shape[3]
    inds_1 = jnp.asarray(np.linspace(0, H, SIZE, endpoint=False).astype(np.int64))
    inds_2 = jnp.asarray(np.linspace(0, W, SIZE, endpoint=False).astype(np.int64))
    resample_x = jnp.take(x, inds_1, axis=2)
    resample_x = jnp.take(resample_x, inds_2, axis=3)
    return resample_x

if __name__ == "__main__":
    import jax
    _d = setup_inputs()
    print(jax.jit(kernel)(*tuple(_d.values())))

</pallas_src>

<mosaic_0001>
#map = affine_map<(d0, d1) -> (0, 0)>
module attributes {stable_mosaic.version = 14 : i64} {
  func.func @_body(%arg0: i32, %arg1: i32, %arg2: memref<294912x384xf32, #tpu.memory_space<hbm>>, %arg3: memref<196608x256xf32, #tpu.memory_space<hbm>>, %arg4: memref<64xi32, #tpu.memory_space<vmem>>, %arg5: memref<64xi32, #tpu.memory_space<vmem>>, %arg6: memref<64x384xf32, #tpu.memory_space<vmem>>, %arg7: memref<64x384xf32, #tpu.memory_space<vmem>>, %arg8: memref<64x256xf32, #tpu.memory_space<vmem>>, %arg9: memref<64x256xf32, #tpu.memory_space<vmem>>, %arg10: memref<!tpu.dma_semaphore, #tpu.memory_space<semaphore_mem>>, %arg11: memref<!tpu.dma_semaphore, #tpu.memory_space<semaphore_mem>>, %arg12: memref<!tpu.dma_semaphore, #tpu.memory_space<semaphore_mem>>, %arg13: memref<!tpu.dma_semaphore, #tpu.memory_space<semaphore_mem>>) attributes {dimension_semantics = [#tpu.dimension_semantics<core_parallel>, #tpu.dimension_semantics<subcore_parallel>], iteration_bounds = array<i64: 2, 16>, scalar_prefetch = 0 : i64, scratch_operands = 10 : i64, tpu.core_type = #tpu.core_type<sc_vector_subcore>, window_params = [{transform_indices = #map}, {transform_indices = #map}]} {
    %mul3A = arith.constant 2 : i32
    %mul3A_0 = arith.muli %arg1, %mul3A : i32
    %add3A = arith.addi %mul3A_0, %arg0 : i32
    %mul3A_1 = arith.constant 24 : i32
    %mul3A_2 = arith.muli %add3A, %mul3A_1 : i32
    %mul3A_3 = arith.constant 384 : i32
    %mul3A_4 = arith.muli %mul3A_2, %mul3A_3 : i32
    %mul3A_5 = arith.constant 24 : i32
    %mul3A_6 = arith.muli %add3A, %mul3A_5 : i32
    %mul3A_7 = arith.constant 256 : i32
    %mul3A_8 = arith.muli %mul3A_6, %mul3A_7 : i32
    %iota3A = tpu.iota {dimensions = array<i32: 0>} : vector<16xi32>
    %shift_right_logical3A = arith.constant 1 : i32
    %shift_right_logical3A_9 = vector.broadcast %shift_right_logical3A : i32 to vector<16xi32>
    %shift_right_logical3A_10 = arith.shrui %iota3A, %shift_right_logical3A_9 : vector<16xi32>
    %add3A_11 = arith.addi %iota3A, %shift_right_logical3A_10 : vector<16xi32>
    %shift_right_logical3A_12 = arith.constant 0 : i32
    %shift_right_logical3A_13 = arith.constant 2 : i32
    %shift_right_logical3A_14 = arith.shrui %shift_right_logical3A_12, %shift_right_logical3A_13 : i32
    %mul3A_15 = arith.constant 384 : i32
    %mul3A_16 = arith.muli %shift_right_logical3A_14, %mul3A_15 : i32
    %add3A_17 = arith.addi %mul3A_4, %mul3A_16 : i32
    %and3A = arith.constant 0 : i32
    %and3A_18 = arith.constant 3 : i32
    %and3A_19 = arith.andi %and3A, %and3A_18 : i32
    %mul3A_20 = arith.constant 96 : i32
    %mul3A_21 = arith.muli %and3A_19, %mul3A_20 : i32
    %add3A_22 = arith.addi %add3A_17, %mul3A_21 : i32
    %add3A_23 = arith.constant 0 : i32
    %add3A_24 = arith.addi %add3A_22, %add3A_23 : i32
    %add3A_25 = vector.broadcast %add3A_24 : i32 to vector<16xi32>
    %add3A_26 = arith.addi %add3A_25, %add3A_11 : vector<16xi32>
    %swap3A = arith.constant 0 : index
    %swap3A_27 = tpu.vector_load %arg4[%swap3A] {strides = array<i32>} : memref<64xi32, #tpu.memory_space<vmem>>, vector<16xi32>,
    tpu.vector_store %arg4[%swap3A], %add3A_26 {strides = array<i32>} : memref<64xi32, #tpu.memory_space<vmem>>, vector<16xi32>,
    %add3A_28 = arith.constant 24 : i32
    %add3A_29 = arith.addi %add3A_22, %add3A_28 : i32
    %add3A_30 = vector.broadcast %add3A_29 : i32 to vector<16xi32>
    %add3A_31 = arith.addi %add3A_30, %add3A_11 : vector<16xi32>
    %swap3A_32 = arith.constant 16 : index
    %swap3A_33 = tpu.vector_load %arg4[%swap3A_32] {strides = array<i32>} : memref<64xi32, #tpu.memory_space<vmem>>, vector<16xi32>,
    tpu.vector_store %arg4[%swap3A_32], %add3A_31 {strides = array<i32>} : memref<64xi32, #tpu.memory_space<vmem>>, vector<16xi32>,
    %add3A_34 = arith.constant 48 : i32
    %add3A_35 = arith.addi %add3A_22, %add3A_34 : i32
    %add3A_36 = vector.broadcast %add3A_35 : i32 to vector<16xi32>
    %add3A_37 = arith.addi %add3A_36, %add3A_11 : vector<16xi32>
    %swap3A_38 = arith.constant 32 : index
    %swap3A_39 = tpu.vector_load %arg4[%swap3A_38] {strides = array<i32>} : memref<64xi32, #tpu.memory_space<vmem>>, vector<16xi32>,
    tpu.vector_store %arg4[%swap3A_38], %add3A_37 {strides = array<i32>} : memref<64xi32, #tpu.memory_space<vmem>>, vector<16xi32>,
    %add3A_40 = arith.constant 72 : i32
    %add3A_41 = arith.addi %add3A_22, %add3A_40 : i32
    %add3A_42 = vector.broadcast %add3A_41 : i32 to vector<16xi32>
    %add3A_43 = arith.addi %add3A_42, %add3A_11 : vector<16xi32>
    %swap3A_44 = arith.constant 48 : index
    %swap3A_45 = tpu.vector_load %arg4[%swap3A_44] {strides = array<i32>} : memref<64xi32, #tpu.memory_space<vmem>>, vector<16xi32>,
    tpu.vector_store %arg4[%swap3A_44], %add3A_43 {strides = array<i32>} : memref<64xi32, #tpu.memory_space<vmem>>, vector<16xi32>,
    %dma_start3A = arith.constant 0 : i32
    %dma_start3A_46 = arith.constant 0 : i32
    %dma_start3A_47 = tpu.memref_slice %arg2[%dma_start3A, %dma_start3A_46] : memref<294912x384xf32, #tpu.memory_space<hbm>> -> memref<294912x384xf32, #tpu.memory_space<hbm>>
    tpu.enqueue_indirect_dma source(%dma_start3A_47 : memref<294912x384xf32, #tpu.memory_space<hbm>>) target(%arg6 : memref<64x384xf32, #tpu.memory_space<vmem>>) offsets(%arg4 : memref<64xi32, #tpu.memory_space<vmem>>) semaphore(%arg10 : memref<!tpu.dma_semaphore, #tpu.memory_space<semaphore_mem>>)
    %scan3A = arith.constant 0 : i32
    %scan3A_48 = arith.constant 0 : i32
    %scan3A_49 = arith.constant 48 : i32
    %scan3A_50 = arith.addi %scan3A_48, %scan3A_49 : i32
    %scan3A_51 = arith.constant 1 : i32
    scf.for %scan3A_68 = %scan3A_48 to %scan3A_50 step %scan3A_51  : i32 {
      %mul3A_69 = arith.constant 2 : i32
      %mul3A_70 = arith.muli %mul3A_69, %scan3A_68 : i32
      %add3A_71 = arith.constant 1 : i32
      %add3A_72 = arith.addi %mul3A_70, %add3A_71 : i32
      %lt3A = arith.constant 96 : i32
      %lt3A_73 = arith.cmpi slt, %add3A_72, %lt3A : i32
      %convert_element_type3A = arith.extui %lt3A_73 : i1 to i32
      %cond3A = arith.constant 0 : i32
      %cond3A_74 = arith.cmpi ne, %convert_element_type3A, %cond3A : i32
      scf.if %cond3A_74 {
        %add3A_118 = arith.constant 1 : i32
        %add3A_119 = arith.addi %mul3A_70, %add3A_118 : i32
        %shift_right_logical3A_120 = arith.constant 2 : i32
        %shift_right_logical3A_121 = arith.shrui %add3A_119, %shift_right_logical3A_120 : i32
        %mul3A_122 = arith.constant 384 : i32
        %mul3A_123 = arith.muli %shift_right_logical3A_121, %mul3A_122 : i32
        %add3A_124 = arith.addi %mul3A_4, %mul3A_123 : i32
        %and3A_125 = arith.constant 3 : i32
        %and3A_126 = arith.andi %add3A_119, %and3A_125 : i32
        %mul3A_127 = arith.constant 96 : i32
        %mul3A_128 = arith.muli %and3A_126, %mul3A_127 : i32
        %add3A_129 = arith.addi %add3A_124, %mul3A_128 : i32
        %add3A_130 = arith.constant 0 : i32
        %add3A_131 = arith.addi %add3A_129, %add3A_130 : i32
        %add3A_132 = vector.broadcast %add3A_131 : i32 to vector<16xi32>
        %add3A_133 = arith.addi %add3A_132, %add3A_11 : vector<16xi32>
        %swap3A_134 = arith.constant 0 : index
        %swap3A_135 = tpu.vector_load %arg5[%swap3A_134] {strides = array<i32>} : memref<64xi32, #tpu.memory_space<vmem>>, vector<16xi32>,
        tpu.vector_store %arg5[%swap3A_134], %add3A_133 {strides = array<i32>} : memref<64xi32, #tpu.memory_space<vmem>>, vector<16xi32>,
        %add3A_136 = arith.constant 24 : i32
        %add3A_137 = arith.addi %add3A_129, %add3A_136 : i32
        %add3A_138 = vector.broadcast %add3A_137 : i32 to vector<16xi32>
        %add3A_139 = arith.addi %add3A_138, %add3A_11 : vector<16xi32>
        %swap3A_140 = arith.constant 16 : index
        %swap3A_141 = tpu.vector_load %arg5[%swap3A_140] {strides = array<i32>} : memref<64xi32, #tpu.memory_space<vmem>>, vector<16xi32>,
        tpu.vector_store %arg5[%swap3A_140], %add3A_139 {strides = array<i32>} : memref<64xi32, #tpu.memory_space<vmem>>, vector<16xi32>,
        %add3A_142 = arith.constant 48 : i32
        %add3A_143 = arith.addi %add3A_129, %add3A_142 : i32
        %add3A_144 = vector.broadcast %add3A_143 : i32 to vector<16xi32>
        %add3A_145 = arith.addi %add3A_144, %add3A_11 : vector<16xi32>
        %swap3A_146 = arith.constant 32 : index
        %swap3A_147 = tpu.vector_load %arg5[%swap3A_146] {strides = array<i32>} : memref<64xi32, #tpu.memory_space<vmem>>, vector<16xi32>,
        tpu.vector_store %arg5[%swap3A_146], %add3A_145 {strides = array<i32>} : memref<64xi32, #tpu.memory_space<vmem>>, vector<16xi32>,
        %add3A_148 = arith.constant 72 : i32
        %add3A_149 = arith.addi %add3A_129, %add3A_148 : i32
        %add3A_150 = vector.broadcast %add3A_149 : i32 to vector<16xi32>
        %add3A_151 = arith.addi %add3A_150, %add3A_11 : vector<16xi32>
        %swap3A_152 = arith.constant 48 : index
        %swap3A_153 = tpu.vector_load %arg5[%swap3A_152] {strides = array<i32>} : memref<64xi32, #tpu.memory_space<vmem>>, vector<16xi32>,
        tpu.vector_store %arg5[%swap3A_152], %add3A_151 {strides = array<i32>} : memref<64xi32, #tpu.memory_space<vmem>>, vector<16xi32>,
        %dma_start3A_154 = arith.constant 0 : i32
        %dma_start3A_155 = arith.constant 0 : i32
        %dma_start3A_156 = tpu.memref_slice %arg2[%dma_start3A_154, %dma_start3A_155] : memref<294912x384xf32, #tpu.memory_space<hbm>> -> memref<294912x384xf32, #tpu.memory_space<hbm>>
        tpu.enqueue_indirect_dma source(%dma_start3A_156 : memref<294912x384xf32, #tpu.memory_space<hbm>>) target(%arg7 : memref<64x384xf32, #tpu.memory_space<vmem>>) offsets(%arg5 : memref<64xi32, #tpu.memory_space<vmem>>) semaphore(%arg11 : memref<!tpu.dma_semaphore, #tpu.memory_space<semaphore_mem>>)
      } else {
      }
      %dma_wait3A_75 = arith.constant 0 : i32
      %dma_wait3A_76 = arith.constant 0 : i32
      %dma_wait3A_77 = tpu.memref_slice %arg2[%dma_wait3A_75, %dma_wait3A_76] : memref<294912x384xf32, #tpu.memory_space<hbm>> -> memref<294912x384xf32, #tpu.memory_space<hbm>>
      tpu.wait_indirect_dma semaphore(%arg10 : memref<!tpu.dma_semaphore, #tpu.memory_space<semaphore_mem>>) src(%dma_wait3A_77 : memref<294912x384xf32, #tpu.memory_space<hbm>>) dst(%arg6 : memref<64x384xf32, #tpu.memory_space<vmem>>)
      %ge3A = arith.constant 2 : i32
      %ge3A_78 = arith.cmpi sge, %mul3A_70, %ge3A : i32
      %convert_element_type3A_79 = arith.extui %ge3A_78 : i1 to i32
      %cond3A_80 = arith.constant 0 : i32
      %cond3A_81 = arith.cmpi ne, %convert_element_type3A_79, %cond3A_80 : i32
      scf.if %cond3A_81 {
        %sub3A = arith.constant 2 : i32
        %sub3A_118 = arith.subi %mul3A_70, %sub3A : i32
        %mul3A_119 = arith.constant 64 : i32
        %mul3A_120 = arith.muli %sub3A_118, %mul3A_119 : i32
        %add3A_121 = arith.addi %mul3A_8, %mul3A_120 : i32
        %dma_wait3A_122 = arith.constant 0 : i32
        %dma_wait3A_123 = tpu.memref_slice %arg3[%add3A_121, %dma_wait3A_122] : memref<196608x256xf32, #tpu.memory_space<hbm>> -> memref<64x256xf32, #tpu.memory_space<hbm>>
        %dma_wait3A_124 = arith.constant 0 : i32
        %dma_wait3A_125 = tpu.memref_slice %arg3[%add3A_121, %dma_wait3A_124] : memref<196608x256xf32, #tpu.memory_space<hbm>> -> memref<64x256xf32, #tpu.memory_space<hbm>>
        tpu.wait_dma2 semaphore(%arg12 : memref<!tpu.dma_semaphore, #tpu.memory_space<semaphore_mem>>) src(%arg8 : memref<64x256xf32, #tpu.memory_space<vmem>>) dst(%dma_wait3A_125 : memref<64x256xf32, #tpu.memory_space<hbm>>)
      } else {
      }
      %parallel_loop3A = arith.constant 0 : i32
      %parallel_loop3A_82 = arith.constant 64 : i32
      %parallel_loop3A_83 = arith.constant 1 : i32
      scf.for %parallel_loop3A_118 = %parallel_loop3A to %parallel_loop3A_82 step %parallel_loop3A_83  : i32 {
        %parallel_loop3A_119 = arith.constant 0 : i32
        %parallel_loop3A_120 = vector.broadcast %parallel_loop3A_119 : i32 to vector<16xi32>
        %parallel_loop3A_121 = vector.broadcast %parallel_loop3A_118 : i32 to vector<16xi32>
        %parallel_loop3A_122 = arith.addi %parallel_loop3A_120, %parallel_loop3A_121 : vector<16xi32>
        %parallel_loop3A_123 = arith.constant 0 : i32
        %parallel_loop3A_124 = vector.broadcast %parallel_loop3A_123 : i32 to vector<16xi32>
        %parallel_loop3A_125 = arith.addi %add3A_11, %parallel_loop3A_124 : vector<16xi32>
        %parallel_loop3A_126 = tpu.vector_load_idx %arg6[%parallel_loop3A_122, %parallel_loop3A_125] : memref<64x384xf32, #tpu.memory_space<vmem>>[vector<16xi32>, vector<16xi32>], vector<16xf32>,
        %parallel_loop3A_127 = arith.index_cast %parallel_loop3A_118 : i32 to index
        %parallel_loop3A_128 = arith.constant 0 : index
        %parallel_loop3A_129 = tpu.vector_load %arg8[%parallel_loop3A_127, %parallel_loop3A_128] {strides = array<i32>} : memref<64x256xf32, #tpu.memory_space<vmem>>, vector<16xf32>,
        tpu.vector_store %arg8[%parallel_loop3A_127, %parallel_loop3A_128], %parallel_loop3A_126 {strides = array<i32>} : memref<64x256xf32, #tpu.memory_space<vmem>>, vector<16xf32>,
        %parallel_loop3A_130 = arith.constant 24 : i32
        %parallel_loop3A_131 = vector.broadcast %parallel_loop3A_130 : i32 to vector<16xi32>
        %parallel_loop3A_132 = arith.addi %add3A_11, %parallel_loop3A_131 : vector<16xi32>
        %parallel_loop3A_133 = tpu.vector_load_idx %arg6[%parallel_loop3A_122, %parallel_loop3A_132] : memref<64x384xf32, #tpu.memory_space<vmem>>[vector<16xi32>, vector<16xi32>], vector<16xf32>,
        %parallel_loop3A_134 = arith.index_cast %parallel_loop3A_118 : i32 to index
        %parallel_loop3A_135 = arith.constant 16 : index
        %parallel_loop3A_136 = tpu.vector_load %arg8[%parallel_loop3A_134, %parallel_loop3A_135] {strides = array<i32>} : memref<64x256xf32, #tpu.memory_space<vmem>>, vector<16xf32>,
        tpu.vector_store %arg8[%parallel_loop3A_134, %parallel_loop3A_135], %parallel_loop3A_133 {strides = array<i32>} : memref<64x256xf32, #tpu.memory_space<vmem>>, vector<16xf32>,
        %parallel_loop3A_137 = arith.constant 48 : i32
        %parallel_loop3A_138 = vector.broadcast %parallel_loop3A_137 : i32 to vector<16xi32>
        %parallel_loop3A_139 = arith.addi %add3A_11, %parallel_loop3A_138 : vector<16xi32>
        %parallel_loop3A_140 = tpu.vector_load_idx %arg6[%parallel_loop3A_122, %parallel_loop3A_139] : memref<64x384xf32, #tpu.memory_space<vmem>>[vector<16xi32>, vector<16xi32>], vector<16xf32>,
        %parallel_loop3A_141 = arith.index_cast %parallel_loop3A_118 : i32 to index
        %parallel_loop3A_142 = arith.constant 32 : index
        %parallel_loop3A_143 = tpu.vector_load %arg8[%parallel_loop3A_141, %parallel_loop3A_142] {strides = array<i32>} : memref<64x256xf32, #tpu.memory_space<vmem>>, vector<16xf32>,
        tpu.vector_store %arg8[%parallel_loop3A_141, %parallel_loop3A_142], %parallel_loop3A_140 {strides = array<i32>} : memref<64x256xf32, #tpu.memory_space<vmem>>, vector<16xf32>,
        %parallel_loop3A_144 = arith.constant 72 : i32
        %parallel_loop3A_145 = vector.broadcast %parallel_loop3A_144 : i32 to vector<16xi32>
        %parallel_loop3A_146 = arith.addi %add3A_11, %parallel_loop3A_145 : vector<16xi32>
        %parallel_loop3A_147 = tpu.vector_load_idx %arg6[%parallel_loop3A_122, %parallel_loop3A_146] : memref<64x384xf32, #tpu.memory_space<vmem>>[vector<16xi32>, vector<16xi32>], vector<16xf32>,
        %parallel_loop3A_148 = arith.index_cast %parallel_loop3A_118 : i32 to index
        %parallel_loop3A_149 = arith.constant 48 : index
        %parallel_loop3A_150 = tpu.vector_load %arg8[%parallel_loop3A_148, %parallel_loop3A_149] {strides = array<i32>} : memref<64x256xf32, #tpu.memory_space<vmem>>, vector<16xf32>,
        tpu.vector_store %arg8[%parallel_loop3A_148, %parallel_loop3A_149], %parallel_loop3A_147 {strides = array<i32>} : memref<64x256xf32, #tpu.memory_space<vmem>>, vector<16xf32>,
        %parallel_loop3A_151 = arith.constant 96 : i32
        %parallel_loop3A_152 = vector.broadcast %parallel_loop3A_151 : i32 to vector<16xi32>
        %parallel_loop3A_153 = arith.addi %add3A_11, %parallel_loop3A_152 : vector<16xi32>
        %parallel_loop3A_154 = tpu.vector_load_idx %arg6[%parallel_loop3A_122, %parallel_loop3A_153] : memref<64x384xf32, #tpu.memory_space<vmem>>[vector<16xi32>, vector<16xi32>], vector<16xf32>,
        %parallel_loop3A_155 = arith.index_cast %parallel_loop3A_118 : i32 to index
        %parallel_loop3A_156 = arith.constant 64 : index
        %parallel_loop3A_157 = tpu.vector_load %arg8[%parallel_loop3A_155, %parallel_loop3A_156] {strides = array<i32>} : memref<64x256xf32, #tpu.memory_space<vmem>>, vector<16xf32>,
        tpu.vector_store %arg8[%parallel_loop3A_155, %parallel_loop3A_156], %parallel_loop3A_154 {strides = array<i32>} : memref<64x256xf32, #tpu.memory_space<vmem>>, vector<16xf32>,
        %parallel_loop3A_158 = arith.constant 120 : i32
        %parallel_loop3A_159 = vector.broadcast %parallel_loop3A_158 : i32 to vector<16xi32>
        %parallel_loop3A_160 = arith.addi %add3A_11, %parallel_loop3A_159 : vector<16xi32>
        %parallel_loop3A_161 = tpu.vector_load_idx %arg6[%parallel_loop3A_122, %parallel_loop3A_160] : memref<64x384xf32, #tpu.memory_space<vmem>>[vector<16xi32>, vector<16xi32>], vector<16xf32>,
        %parallel_loop3A_162 = arith.index_cast %parallel_loop3A_118 : i32 to index
        %parallel_loop3A_163 = arith.constant 80 : index
        %parallel_loop3A_164 = tpu.vector_load %arg8[%parallel_loop3A_162, %parallel_loop3A_163] {strides = array<i32>} : memref<64x256xf32, #tpu.memory_space<vmem>>, vector<16xf32>,
        tpu.vector_store %arg8[%parallel_loop3A_162, %parallel_loop3A_163], %parallel_loop3A_161 {strides = array<i32>} : memref<64x256xf32, #tpu.memory_space<vmem>>, vector<16xf32>,
        %parallel_loop3A_165 = arith.constant 144 : i32
        %parallel_loop3A_166 = vector.broadcast %parallel_loop3A_165 : i32 to vector<16xi32>
        %parallel_loop3A_167 = arith.addi %add3A_11, %parallel_loop3A_166 : vector<16xi32>
        %parallel_loop3A_168 = tpu.vector_load_idx %arg6[%parallel_loop3A_122, %parallel_loop3A_167] : memref<64x384xf32, #tpu.memory_space<vmem>>[vector<16xi32>, vector<16xi32>], vector<16xf32>,
        %parallel_loop3A_169 = arith.index_cast %parallel_loop3A_118 : i32 to index
        %parallel_loop3A_170 = arith.constant 96 : index
        %parallel_loop3A_171 = tpu.vector_load %arg8[%parallel_loop3A_169, %parallel_loop3A_170] {strides = array<i32>} : memref<64x256xf32, #tpu.memory_space<vmem>>, vector<16xf32>,
        tpu.vector_store %arg8[%parallel_loop3A_169, %parallel_loop3A_170], %parallel_loop3A_168 {strides = array<i32>} : memref<64x256xf32, #tpu.memory_space<vmem>>, vector<16xf32>,
        %parallel_loop3A_172 = arith.constant 168 : i32
        %parallel_loop3A_173 = vector.broadcast %parallel_loop3A_172 : i32 to vector<16xi32>
        %parallel_loop3A_174 = arith.addi %add3A_11, %parallel_loop3A_173 : vector<16xi32>
        %parallel_loop3A_175 = tpu.vector_load_idx %arg6[%parallel_loop3A_122, %parallel_loop3A_174] : memref<64x384xf32, #tpu.memory_space<vmem>>[vector<16xi32>, vector<16xi32>], vector<16xf32>,
        %parallel_loop3A_176 = arith.index_cast %parallel_loop3A_118 : i32 to index
        %parallel_loop3A_177 = arith.constant 112 : index
        %parallel_loop3A_178 = tpu.vector_load %arg8[%parallel_loop3A_176, %parallel_loop3A_177] {strides = array<i32>} : memref<64x256xf32, #tpu.memory_space<vmem>>, vector<16xf32>,
        tpu.vector_store %arg8[%parallel_loop3A_176, %parallel_loop3A_177], %parallel_loop3A_175 {strides = array<i32>} : memref<64x256xf32, #tpu.memory_space<vmem>>, vector<16xf32>,
        %parallel_loop3A_179 = arith.constant 192 : i32
        %parallel_loop3A_180 = vector.broadcast %parallel_loop3A_179 : i32 to vector<16xi32>
        %parallel_loop3A_181 = arith.addi %add3A_11, %parallel_loop3A_180 : vector<16xi32>
        %parallel_loop3A_182 = tpu.vector_load_idx %arg6[%parallel_loop3A_122, %parallel_loop3A_181] : memref<64x384xf32, #tpu.memory_space<vmem>>[vector<16xi32>, vector<16xi32>], vector<16xf32>,
        %parallel_loop3A_183 = arith.index_cast %parallel_loop3A_118 : i32 to index
        %parallel_loop3A_184 = arith.constant 128 : index
        %parallel_loop3A_185 = tpu.vector_load %arg8[%parallel_loop3A_183, %parallel_loop3A_184] {strides = array<i32>} : memref<64x256xf32, #tpu.memory_space<vmem>>, vector<16xf32>,
        tpu.vector_store %arg8[%parallel_loop3A_183, %parallel_loop3A_184], %parallel_loop3A_182 {strides = array<i32>} : memref<64x256xf32, #tpu.memory_space<vmem>>, vector<16xf32>,
        %parallel_loop3A_186 = arith.constant 216 : i32
        %parallel_loop3A_187 = vector.broadcast %parallel_loop3A_186 : i32 to vector<16xi32>
        %parallel_loop3A_188 = arith.addi %add3A_11, %parallel_loop3A_187 : vector<16xi32>
        %parallel_loop3A_189 = tpu.vector_load_idx %arg6[%parallel_loop3A_122, %parallel_loop3A_188] : memref<64x384xf32, #tpu.memory_space<vmem>>[vector<16xi32>, vector<16xi32>], vector<16xf32>,
        %parallel_loop3A_190 = arith.index_cast %parallel_loop3A_118 : i32 to index
        %parallel_loop3A_191 = arith.constant 144 : index
        %parallel_loop3A_192 = tpu.vector_load %arg8[%parallel_loop3A_190, %parallel_loop3A_191] {strides = array<i32>} : memref<64x256xf32, #tpu.memory_space<vmem>>, vector<16xf32>,
        tpu.vector_store %arg8[%parallel_loop3A_190, %parallel_loop3A_191], %parallel_loop3A_189 {strides = array<i32>} : memref<64x256xf32, #tpu.memory_space<vmem>>, vector<16xf32>,
        %parallel_loop3A_193 = arith.constant 240 : i32
        %parallel_loop3A_194 = vector.broadcast %parallel_loop3A_193 : i32 to vector<16xi32>
        %parallel_loop3A_195 = arith.addi %add3A_11, %parallel_loop3A_194 : vector<16xi32>
        %parallel_loop3A_196 = tpu.vector_load_idx %arg6[%parallel_loop3A_122, %parallel_loop3A_195] : memref<64x384xf32, #tpu.memory_space<vmem>>[vector<16xi32>, vector<16xi32>], vector<16xf32>,
        %parallel_loop3A_197 = arith.index_cast %parallel_loop3A_118 : i32 to index
        %parallel_loop3A_198 = arith.constant 160 : index
        %parallel_loop3A_199 = tpu.vector_load %arg8[%parallel_loop3A_197, %parallel_loop3A_198] {strides = array<i32>} : memref<64x256xf32, #tpu.memory_space<vmem>>, vector<16xf32>,
        tpu.vector_store %arg8[%parallel_loop3A_197, %parallel_loop3A_198], %parallel_loop3A_196 {strides = array<i32>} : memref<64x256xf32, #tpu.memory_space<vmem>>, vector<16xf32>,
        %parallel_loop3A_200 = arith.constant 264 : i32
        %parallel_loop3A_201 = vector.broadcast %parallel_loop3A_200 : i32 to vector<16xi32>
        %parallel_loop3A_202 = arith.addi %add3A_11, %parallel_loop3A_201 : vector<16xi32>
        %parallel_loop3A_203 = tpu.vector_load_idx %arg6[%parallel_loop3A_122, %parallel_loop3A_202] : memref<64x384xf32, #tpu.memory_space<vmem>>[vector<16xi32>, vector<16xi32>], vector<16xf32>,
        %parallel_loop3A_204 = arith.index_cast %parallel_loop3A_118 : i32 to index
        %parallel_loop3A_205 = arith.constant 176 : index
        %parallel_loop3A_206 = tpu.vector_load %arg8[%parallel_loop3A_204, %parallel_loop3A_205] {strides = array<i32>} : memref<64x256xf32, #tpu.memory_space<vmem>>, vector<16xf32>,
        tpu.vector_store %arg8[%parallel_loop3A_204, %parallel_loop3A_205], %parallel_loop3A_203 {strides = array<i32>} : memref<64x256xf32, #tpu.memory_space<vmem>>, vector<16xf32>,
        %parallel_loop3A_207 = arith.constant 288 : i32
        %parallel_loop3A_208 = vector.broadcast %parallel_loop3A_207 : i32 to vector<16xi32>
        %parallel_loop3A_209 = arith.addi %add3A_11, %parallel_loop3A_208 : vector<16xi32>
        %parallel_loop3A_210 = tpu.vector_load_idx %arg6[%parallel_loop3A_122, %parallel_loop3A_209] : memref<64x384xf32, #tpu.memory_space<vmem>>[vector<16xi32>, vector<16xi32>], vector<16xf32>,
        %parallel_loop3A_211 = arith.index_cast %parallel_loop3A_118 : i32 to index
        %parallel_loop3A_212 = arith.constant 192 : index
        %parallel_loop3A_213 = tpu.vector_load %arg8[%parallel_loop3A_211, %parallel_loop3A_212] {strides = array<i32>} : memref<64x256xf32, #tpu.memory_space<vmem>>, vector<16xf32>,
        tpu.vector_store %arg8[%parallel_loop3A_211, %parallel_loop3A_212], %parallel_loop3A_210 {strides = array<i32>} : memref<64x256xf32, #tpu.memory_space<vmem>>, vector<16xf32>,
        %parallel_loop3A_214 = arith.constant 312 : i32
        %parallel_loop3A_215 = vector.broadcast %parallel_loop3A_214 : i32 to vector<16xi32>
        %parallel_loop3A_216 = arith.addi %add3A_11, %parallel_loop3A_215 : vector<16xi32>
        %parallel_loop3A_217 = tpu.vector_load_idx %arg6[%parallel_loop3A_122, %parallel_loop3A_216] : memref<64x384xf32, #tpu.memory_space<vmem>>[vector<16xi32>, vector<16xi32>], vector<16xf32>,
        %parallel_loop3A_218 = arith.index_cast %parallel_loop3A_118 : i32 to index
        %parallel_loop3A_219 = arith.constant 208 : index
        %parallel_loop3A_220 = tpu.vector_load %arg8[%parallel_loop3A_218, %parallel_loop3A_219] {strides = array<i32>} : memref<64x256xf32, #tpu.memory_space<vmem>>, vector<16xf32>,
        tpu.vector_store %arg8[%parallel_loop3A_218, %parallel_loop3A_219], %parallel_loop3A_217 {strides = array<i32>} : memref<64x256xf32, #tpu.memory_space<vmem>>, vector<16xf32>,
        %parallel_loop3A_221 = arith.constant 336 : i32
        %parallel_loop3A_222 = vector.broadcast %parallel_loop3A_221 : i32 to vector<16xi32>
        %parallel_loop3A_223 = arith.addi %add3A_11, %parallel_loop3A_222 : vector<16xi32>
        %parallel_loop3A_224 = tpu.vector_load_idx %arg6[%parallel_loop3A_122, %parallel_loop3A_223] : memref<64x384xf32, #tpu.memory_space<vmem>>[vector<16xi32>, vector<16xi32>], vector<16xf32>,
        %parallel_loop3A_225 = arith.index_cast %parallel_loop3A_118 : i32 to index
        %parallel_loop3A_226 = arith.constant 224 : index
        %parallel_loop3A_227 = tpu.vector_load %arg8[%parallel_loop3A_225, %parallel_loop3A_226] {strides = array<i32>} : memref<64x256xf32, #tpu.memory_space<vmem>>, vector<16xf32>,
        tpu.vector_store %arg8[%parallel_loop3A_225, %parallel_loop3A_226], %parallel_loop3A_224 {strides = array<i32>} : memref<64x256xf32, #tpu.memory_space<vmem>>, vector<16xf32>,
        %parallel_loop3A_228 = arith.constant 360 : i32
        %parallel_loop3A_229 = vector.broadcast %parallel_loop3A_228 : i32 to vector<16xi32>
        %parallel_loop3A_230 = arith.addi %add3A_11, %parallel_loop3A_229 : vector<16xi32>
        %parallel_loop3A_231 = tpu.vector_load_idx %arg6[%parallel_loop3A_122, %parallel_loop3A_230] : memref<64x384xf32, #tpu.memory_space<vmem>>[vector<16xi32>, vector<16xi32>], vector<16xf32>,
        %parallel_loop3A_232 = arith.index_cast %parallel_loop3A_118 : i32 to index
        %parallel_loop3A_233 = arith.constant 240 : index
        %parallel_loop3A_234 = tpu.vector_load %arg8[%parallel_loop3A_232, %parallel_loop3A_233] {strides = array<i32>} : memref<64x256xf32, #tpu.memory_space<vmem>>, vector<16xf32>,
        tpu.vector_store %arg8[%parallel_loop3A_232, %parallel_loop3A_233], %parallel_loop3A_231 {strides = array<i32>} : memref<64x256xf32, #tpu.memory_space<vmem>>, vector<16xf32>,
      } {sc.loop_unroll_factor = 2 : i64, sc.parallel_access}
      %mul3A_84 = arith.constant 64 : i32
      %mul3A_85 = arith.muli %mul3A_70, %mul3A_84 : i32
      %add3A_86 = arith.addi %mul3A_8, %mul3A_85 : i32
      %dma_start3A_87 = arith.constant 0 : i32
      %dma_start3A_88 = tpu.memref_slice %arg3[%add3A_86, %dma_start3A_87] : memref<196608x256xf32, #tpu.memory_space<hbm>> -> memref<64x256xf32, #tpu.memory_space<hbm>>
      %dma_start3A_89 = arith.constant 0 : i32
      %dma_start3A_90 = tpu.memref_slice %arg3[%add3A_86, %dma_start3A_89] : memref<196608x256xf32, #tpu.memory_space<hbm>> -> memref<64x256xf32, #tpu.memory_space<hbm>>
      tpu.enqueue_dma source(%arg8 : memref<64x256xf32, #tpu.memory_space<vmem>>) target(%dma_start3A_90 : memref<64x256xf32, #tpu.memory_space<hbm>>) target_semaphore(%arg12 : memref<!tpu.dma_semaphore, #tpu.memory_space<semaphore_mem>>)
      %add3A_91 = arith.constant 1 : i32
      %add3A_92 = arith.addi %mul3A_70, %add3A_91 : i32
      %add3A_93 = arith.constant 1 : i32
      %add3A_94 = arith.addi %add3A_92, %add3A_93 : i32
      %lt3A_95 = arith.constant 96 : i32
      %lt3A_96 = arith.cmpi slt, %add3A_94, %lt3A_95 : i32
      %convert_element_type3A_97 = arith.extui %lt3A_96 : i1 to i32
      %cond3A_98 = arith.constant 0 : i32
      %cond3A_99 = arith.cmpi ne, %convert_element_type3A_97, %cond3A_98 : i32
      scf.if %cond3A_99 {
        %add3A_118 = arith.constant 1 : i32
        %add3A_119 = arith.addi %add3A_92, %add3A_118 : i32
        %shift_right_logical3A_120 = arith.constant 2 : i32
        %shift_right_logical3A_121 = arith.shrui %add3A_119, %shift_right_logical3A_120 : i32
        %mul3A_122 = arith.constant 384 : i32
        %mul3A_123 = arith.muli %shift_right_logical3A_121, %mul3A_122 : i32
        %add3A_124 = arith.addi %mul3A_4, %mul3A_123 : i32
        %and3A_125 = arith.constant 3 : i32
        %and3A_126 = arith.andi %add3A_119, %and3A_125 : i32
        %mul3A_127 = arith.constant 96 : i32
        %mul3A_128 = arith.muli %and3A_126, %mul3A_127 : i32
        %add3A_129 = arith.addi %add3A_124, %mul3A_128 : i32
        %add3A_130 = arith.constant 0 : i32
        %add3A_131 = arith.addi %add3A_129, %add3A_130 : i32
        %add3A_132 = vector.broadcast %add3A_131 : i32 to vector<16xi32>
        %add3A_133 = arith.addi %add3A_132, %add3A_11 : vector<16xi32>
        %swap3A_134 = arith.constant 0 : index
        %swap3A_135 = tpu.vector_load %arg4[%swap3A_134] {strides = array<i32>} : memref<64xi32, #tpu.memory_space<vmem>>, vector<16xi32>,
        tpu.vector_store %arg4[%swap3A_134], %add3A_133 {strides = array<i32>} : memref<64xi32, #tpu.memory_space<vmem>>, vector<16xi32>,
        %add3A_136 = arith.constant 24 : i32
        %add3A_137 = arith.addi %add3A_129, %add3A_136 : i32
        %add3A_138 = vector.broadcast %add3A_137 : i32 to vector<16xi32>
        %add3A_139 = arith.addi %add3A_138, %add3A_11 : vector<16xi32>
        %swap3A_140 = arith.constant 16 : index
        %swap3A_141 = tpu.vector_load %arg4[%swap3A_140] {strides = array<i32>} : memref<64xi32, #tpu.memory_space<vmem>>, vector<16xi32>,
        tpu.vector_store %arg4[%swap3A_140], %add3A_139 {strides = array<i32>} : memref<64xi32, #tpu.memory_space<vmem>>, vector<16xi32>,
        %add3A_142 = arith.constant 48 : i32
        %add3A_143 = arith.addi %add3A_129, %add3A_142 : i32
        %add3A_144 = vector.broadcast %add3A_143 : i32 to vector<16xi32>
        %add3A_145 = arith.addi %add3A_144, %add3A_11 : vector<16xi32>
        %swap3A_146 = arith.constant 32 : index
        %swap3A_147 = tpu.vector_load %arg4[%swap3A_146] {strides = array<i32>} : memref<64xi32, #tpu.memory_space<vmem>>, vector<16xi32>,
        tpu.vector_store %arg4[%swap3A_146], %add3A_145 {strides = array<i32>} : memref<64xi32, #tpu.memory_space<vmem>>, vector<16xi32>,
        %add3A_148 = arith.constant 72 : i32
        %add3A_149 = arith.addi %add3A_129, %add3A_148 : i32
        %add3A_150 = vector.broadcast %add3A_149 : i32 to vector<16xi32>
        %add3A_151 = arith.addi %add3A_150, %add3A_11 : vector<16xi32>
        %swap3A_152 = arith.constant 48 : index
        %swap3A_153 = tpu.vector_load %arg4[%swap3A_152] {strides = array<i32>} : memref<64xi32, #tpu.memory_space<vmem>>, vector<16xi32>,
        tpu.vector_store %arg4[%swap3A_152], %add3A_151 {strides = array<i32>} : memref<64xi32, #tpu.memory_space<vmem>>, vector<16xi32>,
        %dma_start3A_154 = arith.constant 0 : i32
        %dma_start3A_155 = arith.constant 0 : i32
        %dma_start3A_156 = tpu.memref_slice %arg2[%dma_start3A_154, %dma_start3A_155] : memref<294912x384xf32, #tpu.memory_space<hbm>> -> memref<294912x384xf32, #tpu.memory_space<hbm>>
        tpu.enqueue_indirect_dma source(%dma_start3A_156 : memref<294912x384xf32, #tpu.memory_space<hbm>>) target(%arg6 : memref<64x384xf32, #tpu.memory_space<vmem>>) offsets(%arg4 : memref<64xi32, #tpu.memory_space<vmem>>) semaphore(%arg10 : memref<!tpu.dma_semaphore, #tpu.memory_space<semaphore_mem>>)
      } else {
      }
      %dma_wait3A_100 = arith.constant 0 : i32
      %dma_wait3A_101 = arith.constant 0 : i32
      %dma_wait3A_102 = tpu.memref_slice %arg2[%dma_wait3A_100, %dma_wait3A_101] : memref<294912x384xf32, #tpu.memory_space<hbm>> -> memref<294912x384xf32, #tpu.memory_space<hbm>>
      tpu.wait_indirect_dma semaphore(%arg11 : memref<!tpu.dma_semaphore, #tpu.memory_space<semaphore_mem>>) src(%dma_wait3A_102 : memref<294912x384xf32, #tpu.memory_space<hbm>>) dst(%arg7 : memref<64x384xf32, #tpu.memory_space<vmem>>)
      %ge3A_103 = arith.constant 2 : i32
      %ge3A_104 = arith.cmpi sge, %add3A_92, %ge3A_103 : i32
      %convert_element_type3A_105 = arith.extui %ge3A_104 : i1 to i32
      %cond3A_106 = arith.constant 0 : i32
      %cond3A_107 = arith.cmpi ne, %convert_element_type3A_105, %cond3A_106 : i32
      scf.if %cond3A_107 {
        %sub3A = arith.constant 2 : i32
        %sub3A_118 = arith.subi %add3A_92, %sub3A : i32
        %mul3A_119 = arith.constant 64 : i32
        %mul3A_120 = arith.muli %sub3A_118, %mul3A_119 : i32
        %add3A_121 = arith.addi %mul3A_8, %mul3A_120 : i32
        %dma_wait3A_122 = arith.constant 0 : i32
        %dma_wait3A_123 = tpu.memref_slice %arg3[%add3A_121, %dma_wait3A_122] : memref<196608x256xf32, #tpu.memory_space<hbm>> -> memref<64x256xf32, #tpu.memory_space<hbm>>
        %dma_wait3A_124 = arith.constant 0 : i32
        %dma_wait3A_125 = tpu.memref_slice %arg3[%add3A_121, %dma_wait3A_124] : memref<196608x256xf32, #tpu.memory_space<hbm>> -> memref<64x256xf32, #tpu.memory_space<hbm>>
        tpu.wait_dma2 semaphore(%arg13 : memref<!tpu.dma_semaphore, #tpu.memory_space<semaphore_mem>>) src(%arg9 : memref<64x256xf32, #tpu.memory_space<vmem>>) dst(%dma_wait3A_125 : memref<64x256xf32, #tpu.memory_space<hbm>>)
      } else {
      }
      %parallel_loop3A_108 = arith.constant 0 : i32
      %parallel_loop3A_109 = arith.constant 64 : i32
      %parallel_loop3A_110 = arith.constant 1 : i32
      scf.for %parallel_loop3A_118 = %parallel_loop3A_108 to %parallel_loop3A_109 step %parallel_loop3A_110  : i32 {
        %parallel_loop3A_119 = arith.constant 0 : i32
        %parallel_loop3A_120 = vector.broadcast %parallel_loop3A_119 : i32 to vector<16xi32>
        %parallel_loop3A_121 = vector.broadcast %parallel_loop3A_118 : i32 to vector<16xi32>
        %parallel_loop3A_122 = arith.addi %parallel_loop3A_120, %parallel_loop3A_121 : vector<16xi32>
        %parallel_loop3A_123 = arith.constant 0 : i32
        %parallel_loop3A_124 = vector.broadcast %parallel_loop3A_123 : i32 to vector<16xi32>
        %parallel_loop3A_125 = arith.addi %add3A_11, %parallel_loop3A_124 : vector<16xi32>
        %parallel_loop3A_126 = tpu.vector_load_idx %arg7[%parallel_loop3A_122, %parallel_loop3A_125] : memref<64x384xf32, #tpu.memory_space<vmem>>[vector<16xi32>, vector<16xi32>], vector<16xf32>,
        %parallel_loop3A_127 = arith.index_cast %parallel_loop3A_118 : i32 to index
        %parallel_loop3A_128 = arith.constant 0 : index
        %parallel_loop3A_129 = tpu.vector_load %arg9[%parallel_loop3A_127, %parallel_loop3A_128] {strides = array<i32>} : memref<64x256xf32, #tpu.memory_space<vmem>>, vector<16xf32>,
        tpu.vector_store %arg9[%parallel_loop3A_127, %parallel_loop3A_128], %parallel_loop3A_126 {strides = array<i32>} : memref<64x256xf32, #tpu.memory_space<vmem>>, vector<16xf32>,
        %parallel_loop3A_130 = arith.constant 24 : i32
        %parallel_loop3A_131 = vector.broadcast %parallel_loop3A_130 : i32 to vector<16xi32>
        %parallel_loop3A_132 = arith.addi %add3A_11, %parallel_loop3A_131 : vector<16xi32>
        %parallel_loop3A_133 = tpu.vector_load_idx %arg7[%parallel_loop3A_122, %parallel_loop3A_132] : memref<64x384xf32, #tpu.memory_space<vmem>>[vector<16xi32>, vector<16xi32>], vector<16xf32>,
        %parallel_loop3A_134 = arith.index_cast %parallel_loop3A_118 : i32 to index
        %parallel_loop3A_135 = arith.constant 16 : index
        %parallel_loop3A_136 = tpu.vector_load %arg9[%parallel_loop3A_134, %parallel_loop3A_135] {strides = array<i32>} : memref<64x256xf32, #tpu.memory_space<vmem>>, vector<16xf32>,
        tpu.vector_store %arg9[%parallel_loop3A_134, %parallel_loop3A_135], %parallel_loop3A_133 {strides = array<i32>} : memref<64x256xf32, #tpu.memory_space<vmem>>, vector<16xf32>,
        %parallel_loop3A_137 = arith.constant 48 : i32
        %parallel_loop3A_138 = vector.broadcast %parallel_loop3A_137 : i32 to vector<16xi32>
        %parallel_loop3A_139 = arith.addi %add3A_11, %parallel_loop3A_138 : vector<16xi32>
        %parallel_loop3A_140 = tpu.vector_load_idx %arg7[%parallel_loop3A_122, %parallel_loop3A_139] : memref<64x384xf32, #tpu.memory_space<vmem>>[vector<16xi32>, vector<16xi32>], vector<16xf32>,
        %parallel_loop3A_141 = arith.index_cast %parallel_loop3A_118 : i32 to index
        %parallel_loop3A_142 = arith.constant 32 : index
        %parallel_loop3A_143 = tpu.vector_load %arg9[%parallel_loop3A_141, %parallel_loop3A_142] {strides = array<i32>} : memref<64x256xf32, #tpu.memory_space<vmem>>, vector<16xf32>,
        tpu.vector_store %arg9[%parallel_loop3A_141, %parallel_loop3A_142], %parallel_loop3A_140 {strides = array<i32>} : memref<64x256xf32, #tpu.memory_space<vmem>>, vector<16xf32>,
        %parallel_loop3A_144 = arith.constant 72 : i32
        %parallel_loop3A_145 = vector.broadcast %parallel_loop3A_144 : i32 to vector<16xi32>
        %parallel_loop3A_146 = arith.addi %add3A_11, %parallel_loop3A_145 : vector<16xi32>
        %parallel_loop3A_147 = tpu.vector_load_idx %arg7[%parallel_loop3A_122, %parallel_loop3A_146] : memref<64x384xf32, #tpu.memory_space<vmem>>[vector<16xi32>, vector<16xi32>], vector<16xf32>,
        %parallel_loop3A_148 = arith.index_cast %parallel_loop3A_118 : i32 to index
        %parallel_loop3A_149 = arith.constant 48 : index
        %parallel_loop3A_150 = tpu.vector_load %arg9[%parallel_loop3A_148, %parallel_loop3A_149] {strides = array<i32>} : memref<64x256xf32, #tpu.memory_space<vmem>>, vector<16xf32>,
        tpu.vector_store %arg9[%parallel_loop3A_148, %parallel_loop3A_149], %parallel_loop3A_147 {strides = array<i32>} : memref<64x256xf32, #tpu.memory_space<vmem>>, vector<16xf32>,
        %parallel_loop3A_151 = arith.constant 96 : i32
        %parallel_loop3A_152 = vector.broadcast %parallel_loop3A_151 : i32 to vector<16xi32>
        %parallel_loop3A_153 = arith.addi %add3A_11, %parallel_loop3A_152 : vector<16xi32>
        %parallel_loop3A_154 = tpu.vector_load_idx %arg7[%parallel_loop3A_122, %parallel_loop3A_153] : memref<64x384xf32, #tpu.memory_space<vmem>>[vector<16xi32>, vector<16xi32>], vector<16xf32>,
        %parallel_loop3A_155 = arith.index_cast %parallel_loop3A_118 : i32 to index
        %parallel_loop3A_156 = arith.constant 64 : index
        %parallel_loop3A_157 = tpu.vector_load %arg9[%parallel_loop3A_155, %parallel_loop3A_156] {strides = array<i32>} : memref<64x256xf32, #tpu.memory_space<vmem>>, vector<16xf32>,
        tpu.vector_store %arg9[%parallel_loop3A_155, %parallel_loop3A_156], %parallel_loop3A_154 {strides = array<i32>} : memref<64x256xf32, #tpu.memory_space<vmem>>, vector<16xf32>,
        %parallel_loop3A_158 = arith.constant 120 : i32
        %parallel_loop3A_159 = vector.broadcast %parallel_loop3A_158 : i32 to vector<16xi32>
        %parallel_loop3A_160 = arith.addi %add3A_11, %parallel_loop3A_159 : vector<16xi32>
        %parallel_loop3A_161 = tpu.vector_load_idx %arg7[%parallel_loop3A_122, %parallel_loop3A_160] : memref<64x384xf32, #tpu.memory_space<vmem>>[vector<16xi32>, vector<16xi32>], vector<16xf32>,
        %parallel_loop3A_162 = arith.index_cast %parallel_loop3A_118 : i32 to index
        %parallel_loop3A_163 = arith.constant 80 : index
        %parallel_loop3A_164 = tpu.vector_load %arg9[%parallel_loop3A_162, %parallel_loop3A_163] {strides = array<i32>} : memref<64x256xf32, #tpu.memory_space<vmem>>, vector<16xf32>,
        tpu.vector_store %arg9[%parallel_loop3A_162, %parallel_loop3A_163], %parallel_loop3A_161 {strides = array<i32>} : memref<64x256xf32, #tpu.memory_space<vmem>>, vector<16xf32>,
        %parallel_loop3A_165 = arith.constant 144 : i32
        %parallel_loop3A_166 = vector.broadcast %parallel_loop3A_165 : i32 to vector<16xi32>
        %parallel_loop3A_167 = arith.addi %add3A_11, %parallel_loop3A_166 : vector<16xi32>
        %parallel_loop3A_168 = tpu.vector_load_idx %arg7[%parallel_loop3A_122, %parallel_loop3A_167] : memref<64x384xf32, #tpu.memory_space<vmem>>[vector<16xi32>, vector<16xi32>], vector<16xf32>,
        %parallel_loop3A_169 = arith.index_cast %parallel_loop3A_118 : i32 to index
        %parallel_loop3A_170 = arith.constant 96 : index
        %parallel_loop3A_171 = tpu.vector_load %arg9[%parallel_loop3A_169, %parallel_loop3A_170] {strides = array<i32>} : memref<64x256xf32, #tpu.memory_space<vmem>>, vector<16xf32>,
        tpu.vector_store %arg9[%parallel_loop3A_169, %parallel_loop3A_170], %parallel_loop3A_168 {strides = array<i32>} : memref<64x256xf32, #tpu.memory_space<vmem>>, vector<16xf32>,
        %parallel_loop3A_172 = arith.constant 168 : i32
        %parallel_loop3A_173 = vector.broadcast %parallel_loop3A_172 : i32 to vector<16xi32>
        %parallel_loop3A_174 = arith.addi %add3A_11, %parallel_loop3A_173 : vector<16xi32>
        %parallel_loop3A_175 = tpu.vector_load_idx %arg7[%parallel_loop3A_122, %parallel_loop3A_174] : memref<64x384xf32, #tpu.memory_space<vmem>>[vector<16xi32>, vector<16xi32>], vector<16xf32>,
        %parallel_loop3A_176 = arith.index_cast %parallel_loop3A_118 : i32 to index
        %parallel_loop3A_177 = arith.constant 112 : index
        %parallel_loop3A_178 = tpu.vector_load %arg9[%parallel_loop3A_176, %parallel_loop3A_177] {strides = array<i32>} : memref<64x256xf32, #tpu.memory_space<vmem>>, vector<16xf32>,
        tpu.vector_store %arg9[%parallel_loop3A_176, %parallel_loop3A_177], %parallel_loop3A_175 {strides = array<i32>} : memref<64x256xf32, #tpu.memory_space<vmem>>, vector<16xf32>,
        %parallel_loop3A_179 = arith.constant 192 : i32
        %parallel_loop3A_180 = vector.broadcast %parallel_loop3A_179 : i32 to vector<16xi32>
        %parallel_loop3A_181 = arith.addi %add3A_11, %parallel_loop3A_180 : vector<16xi32>
        %parallel_loop3A_182 = tpu.vector_load_idx %arg7[%parallel_loop3A_122, %parallel_loop3A_181] : memref<64x384xf32, #tpu.memory_space<vmem>>[vector<16xi32>, vector<16xi32>], vector<16xf32>,
        %parallel_loop3A_183 = arith.index_cast %parallel_loop3A_118 : i32 to index
        %parallel_loop3A_184 = arith.constant 128 : index
        %parallel_loop3A_185 = tpu.vector_load %arg9[%parallel_loop3A_183, %parallel_loop3A_184] {strides = array<i32>} : memref<64x256xf32, #tpu.memory_space<vmem>>, vector<16xf32>,
        tpu.vector_store %arg9[%parallel_loop3A_183, %parallel_loop3A_184], %parallel_loop3A_182 {strides = array<i32>} : memref<64x256xf32, #tpu.memory_space<vmem>>, vector<16xf32>,
        %parallel_loop3A_186 = arith.constant 216 : i32
        %parallel_loop3A_187 = vector.broadcast %parallel_loop3A_186 : i32 to vector<16xi32>
        %parallel_loop3A_188 = arith.addi %add3A_11, %parallel_loop3A_187 : vector<16xi32>
        %parallel_loop3A_189 = tpu.vector_load_idx %arg7[%parallel_loop3A_122, %parallel_loop3A_188] : memref<64x384xf32, #tpu.memory_space<vmem>>[vector<16xi32>, vector<16xi32>], vector<16xf32>,
        %parallel_loop3A_190 = arith.index_cast %parallel_loop3A_118 : i32 to index
        %parallel_loop3A_191 = arith.constant 144 : index
        %parallel_loop3A_192 = tpu.vector_load %arg9[%parallel_loop3A_190, %parallel_loop3A_191] {strides = array<i32>} : memref<64x256xf32, #tpu.memory_space<vmem>>, vector<16xf32>,
        tpu.vector_store %arg9[%parallel_loop3A_190, %parallel_loop3A_191], %parallel_loop3A_189 {strides = array<i32>} : memref<64x256xf32, #tpu.memory_space<vmem>>, vector<16xf32>,
        %parallel_loop3A_193 = arith.constant 240 : i32
        %parallel_loop3A_194 = vector.broadcast %parallel_loop3A_193 : i32 to vector<16xi32>
        %parallel_loop3A_195 = arith.addi %add3A_11, %parallel_loop3A_194 : vector<16xi32>
        %parallel_loop3A_196 = tpu.vector_load_idx %arg7[%parallel_loop3A_122, %parallel_loop3A_195] : memref<64x384xf32, #tpu.memory_space<vmem>>[vector<16xi32>, vector<16xi32>], vector<16xf32>,
        %parallel_loop3A_197 = arith.index_cast %parallel_loop3A_118 : i32 to index
        %parallel_loop3A_198 = arith.constant 160 : index
        %parallel_loop3A_199 = tpu.vector_load %arg9[%parallel_loop3A_197, %parallel_loop3A_198] {strides = array<i32>} : memref<64x256xf32, #tpu.memory_space<vmem>>, vector<16xf32>,
        tpu.vector_store %arg9[%parallel_loop3A_197, %parallel_loop3A_198], %parallel_loop3A_196 {strides = array<i32>} : memref<64x256xf32, #tpu.memory_space<vmem>>, vector<16xf32>,
        %parallel_loop3A_200 = arith.constant 264 : i32
        %parallel_loop3A_201 = vector.broadcast %parallel_loop3A_200 : i32 to vector<16xi32>
        %parallel_loop3A_202 = arith.addi %add3A_11, %parallel_loop3A_201 : vector<16xi32>
        %parallel_loop3A_203 = tpu.vector_load_idx %arg7[%parallel_loop3A_122, %parallel_loop3A_202] : memref<64x384xf32, #tpu.memory_space<vmem>>[vector<16xi32>, vector<16xi32>], vector<16xf32>,
        %parallel_loop3A_204 = arith.index_cast %parallel_loop3A_118 : i32 to index
        %parallel_loop3A_205 = arith.constant 176 : index
        %parallel_loop3A_206 = tpu.vector_load %arg9[%parallel_loop3A_204, %parallel_loop3A_205] {strides = array<i32>} : memref<64x256xf32, #tpu.memory_space<vmem>>, vector<16xf32>,
        tpu.vector_store %arg9[%parallel_loop3A_204, %parallel_loop3A_205], %parallel_loop3A_203 {strides = array<i32>} : memref<64x256xf32, #tpu.memory_space<vmem>>, vector<16xf32>,
        %parallel_loop3A_207 = arith.constant 288 : i32
        %parallel_loop3A_208 = vector.broadcast %parallel_loop3A_207 : i32 to vector<16xi32>
        %parallel_loop3A_209 = arith.addi %add3A_11, %parallel_loop3A_208 : vector<16xi32>
        %parallel_loop3A_210 = tpu.vector_load_idx %arg7[%parallel_loop3A_122, %parallel_loop3A_209] : memref<64x384xf32, #tpu.memory_space<vmem>>[vector<16xi32>, vector<16xi32>], vector<16xf32>,
        %parallel_loop3A_211 = arith.index_cast %parallel_loop3A_118 : i32 to index
        %parallel_loop3A_212 = arith.constant 192 : index
        %parallel_loop3A_213 = tpu.vector_load %arg9[%parallel_loop3A_211, %parallel_loop3A_212] {strides = array<i32>} : memref<64x256xf32, #tpu.memory_space<vmem>>, vector<16xf32>,
        tpu.vector_store %arg9[%parallel_loop3A_211, %parallel_loop3A_212], %parallel_loop3A_210 {strides = array<i32>} : memref<64x256xf32, #tpu.memory_space<vmem>>, vector<16xf32>,
        %parallel_loop3A_214 = arith.constant 312 : i32
        %parallel_loop3A_215 = vector.broadcast %parallel_loop3A_214 : i32 to vector<16xi32>
        %parallel_loop3A_216 = arith.addi %add3A_11, %parallel_loop3A_215 : vector<16xi32>
        %parallel_loop3A_217 = tpu.vector_load_idx %arg7[%parallel_loop3A_122, %parallel_loop3A_216] : memref<64x384xf32, #tpu.memory_space<vmem>>[vector<16xi32>, vector<16xi32>], vector<16xf32>,
        %parallel_loop3A_218 = arith.index_cast %parallel_loop3A_118 : i32 to index
        %parallel_loop3A_219 = arith.constant 208 : index
        %parallel_loop3A_220 = tpu.vector_load %arg9[%parallel_loop3A_218, %parallel_loop3A_219] {strides = array<i32>} : memref<64x256xf32, #tpu.memory_space<vmem>>, vector<16xf32>,
        tpu.vector_store %arg9[%parallel_loop3A_218, %parallel_loop3A_219], %parallel_loop3A_217 {strides = array<i32>} : memref<64x256xf32, #tpu.memory_space<vmem>>, vector<16xf32>,
        %parallel_loop3A_221 = arith.constant 336 : i32
        %parallel_loop3A_222 = vector.broadcast %parallel_loop3A_221 : i32 to vector<16xi32>
        %parallel_loop3A_223 = arith.addi %add3A_11, %parallel_loop3A_222 : vector<16xi32>
        %parallel_loop3A_224 = tpu.vector_load_idx %arg7[%parallel_loop3A_122, %parallel_loop3A_223] : memref<64x384xf32, #tpu.memory_space<vmem>>[vector<16xi32>, vector<16xi32>], vector<16xf32>,
        %parallel_loop3A_225 = arith.index_cast %parallel_loop3A_118 : i32 to index
        %parallel_loop3A_226 = arith.constant 224 : index
        %parallel_loop3A_227 = tpu.vector_load %arg9[%parallel_loop3A_225, %parallel_loop3A_226] {strides = array<i32>} : memref<64x256xf32, #tpu.memory_space<vmem>>, vector<16xf32>,
        tpu.vector_store %arg9[%parallel_loop3A_225, %parallel_loop3A_226], %parallel_loop3A_224 {strides = array<i32>} : memref<64x256xf32, #tpu.memory_space<vmem>>, vector<16xf32>,
        %parallel_loop3A_228 = arith.constant 360 : i32
        %parallel_loop3A_229 = vector.broadcast %parallel_loop3A_228 : i32 to vector<16xi32>
        %parallel_loop3A_230 = arith.addi %add3A_11, %parallel_loop3A_229 : vector<16xi32>
        %parallel_loop3A_231 = tpu.vector_load_idx %arg7[%parallel_loop3A_122, %parallel_loop3A_230] : memref<64x384xf32, #tpu.memory_space<vmem>>[vector<16xi32>, vector<16xi32>], vector<16xf32>,
        %parallel_loop3A_232 = arith.index_cast %parallel_loop3A_118 : i32 to index
        %parallel_loop3A_233 = arith.constant 240 : index
        %parallel_loop3A_234 = tpu.vector_load %arg9[%parallel_loop3A_232, %parallel_loop3A_233] {strides = array<i32>} : memref<64x256xf32, #tpu.memory_space<vmem>>, vector<16xf32>,
        tpu.vector_store %arg9[%parallel_loop3A_232, %parallel_loop3A_233], %parallel_loop3A_231 {strides = array<i32>} : memref<64x256xf32, #tpu.memory_space<vmem>>, vector<16xf32>,
      } {sc.loop_unroll_factor = 2 : i64, sc.parallel_access}
      %mul3A_111 = arith.constant 64 : i32
      %mul3A_112 = arith.muli %add3A_92, %mul3A_111 : i32
      %add3A_113 = arith.addi %mul3A_8, %mul3A_112 : i32
      %dma_start3A_114 = arith.constant 0 : i32
      %dma_start3A_115 = tpu.memref_slice %arg3[%add3A_113, %dma_start3A_114] : memref<196608x256xf32, #tpu.memory_space<hbm>> -> memref<64x256xf32, #tpu.memory_space<hbm>>
      %dma_start3A_116 = arith.constant 0 : i32
      %dma_start3A_117 = tpu.memref_slice %arg3[%add3A_113, %dma_start3A_116] : memref<196608x256xf32, #tpu.memory_space<hbm>> -> memref<64x256xf32, #tpu.memory_space<hbm>>
      tpu.enqueue_dma source(%arg9 : memref<64x256xf32, #tpu.memory_space<vmem>>) target(%dma_start3A_117 : memref<64x256xf32, #tpu.memory_space<hbm>>) target_semaphore(%arg13 : memref<!tpu.dma_semaphore, #tpu.memory_space<semaphore_mem>>)
    }
    %scan3A_52 = arith.constant 48 : i32
    %mul3A_53 = arith.constant 94 : i32
    %mul3A_54 = arith.constant 64 : i32
    %mul3A_55 = arith.muli %mul3A_53, %mul3A_54 : i32
    %add3A_56 = arith.addi %mul3A_8, %mul3A_55 : i32
    %dma_wait3A = arith.constant 0 : i32
    %dma_wait3A_57 = tpu.memref_slice %arg3[%add3A_56, %dma_wait3A] : memref<196608x256xf32, #tpu.memory_space<hbm>> -> memref<64x256xf32, #tpu.memory_space<hbm>>
    %dma_wait3A_58 = arith.constant 0 : i32
    %dma_wait3A_59 = tpu.memref_slice %arg3[%add3A_56, %dma_wait3A_58] : memref<196608x256xf32, #tpu.memory_space<hbm>> -> memref<64x256xf32, #tpu.memory_space<hbm>>
    tpu.wait_dma2 semaphore(%arg12 : memref<!tpu.dma_semaphore, #tpu.memory_space<semaphore_mem>>) src(%arg8 : memref<64x256xf32, #tpu.memory_space<vmem>>) dst(%dma_wait3A_59 : memref<64x256xf32, #tpu.memory_space<hbm>>)
    %mul3A_60 = arith.constant 95 : i32
    %mul3A_61 = arith.constant 64 : i32
    %mul3A_62 = arith.muli %mul3A_60, %mul3A_61 : i32
    %add3A_63 = arith.addi %mul3A_8, %mul3A_62 : i32
    %dma_wait3A_64 = arith.constant 0 : i32
    %dma_wait3A_65 = tpu.memref_slice %arg3[%add3A_63, %dma_wait3A_64] : memref<196608x256xf32, #tpu.memory_space<hbm>> -> memref<64x256xf32, #tpu.memory_space<hbm>>
    %dma_wait3A_66 = arith.constant 0 : i32
    %dma_wait3A_67 = tpu.memref_slice %arg3[%add3A_63, %dma_wait3A_66] : memref<196608x256xf32, #tpu.memory_space<hbm>> -> memref<64x256xf32, #tpu.memory_space<hbm>>
    tpu.wait_dma2 semaphore(%arg13 : memref<!tpu.dma_semaphore, #tpu.memory_space<semaphore_mem>>) src(%arg9 : memref<64x256xf32, #tpu.memory_space<vmem>>) dst(%dma_wait3A_67 : memref<64x256xf32, #tpu.memory_space<hbm>>)
    return
  }
}

</mosaic_0001>

<sc_bundles>
// kernel: kernel.3.cloned.1.call-start
scs
__scs_entry_jumppad:
0x0: {  	(pc) =	sbr.rel $0x88, $3  }
0x1: {  	(tag) =	ssettag $0x0;
	lr =	simm.s32 $0x1  }
0x2: {  	[smem:$0x3FA0] =	sst lr;
	_ =	strace $0xD0000000  }
0x3: {  	_ = 	snop  }
0x4: {  	_ = 	snop  }
0x5: {  	_ = 	snop  }
0x6: {  	_ = 	snop  }
0x7: {  	_ = 	snop  }
__scs_overlays_trampoline_lowered:
0x8: {  	[smem:$0x3FAF] =	sst s0  }
0x9: {  	[smem:$0x3FB0] =	sst s1  }
0xa: {  	[smem:$0x3FB1] =	sst s2  }
0xb: {  	[smem:$0x3FB2] =	sst s3  }
0xc: {  	[smem:$0x3FB3] =	sst s4  }
0xd: {  	[smem:$0x3FB4] =	sst s5  }
0xe: {  	[smem:$0x3FB5] =	sst s6  }
0xf: {  	[smem:$0x3FB6] =	sst s7  }
0x10: {  	[smem:$0x3FB7] =	sst s8  }
0x11: {  	[smem:$0x3FB8] =	sst s9;
	s0 =	simm.s32 @!p0 $0x0  }
0x12: {  	s1 =	sld [smem:$0x3F9E];
	s0 =	simm.s32 @p0 $0x1  }
0x13: {  	[smem:$0x3FB9] =	sst s0;
	s0 =	simm.s32 @!p1 $0x0  }
0x14: {  	s2 =	sld [smem:$0x3F9D];
	s0 =	simm.s32 @p1 $0x1  }
0x15: {  	[smem:$0x3FBA] =	sst s0;
	s0 =	simm.s32 @!p2 $0x0  }
0x16: {  	s3 =	sld [smem:$0x3FDB];
	s0 =	simm.s32 @p2 $0x1  }
0x17: {  	s4 =	simm.s32 $0x1BF5;
	[smem:$0x3FBC] =	sst s0  }
0x18: {  	s0 =	sld [smem:$0x3F9F];
	_ =	swait.ge [sflag:s4], $0x0  }
0x19: {  	s7 =	sld [smem:$0x3FA0]  }
0x1a: {  	s8 =	sadd.s32 $0xFFFFE003, lr  }
0x1b: {  	s9 =	sadd.s32 $0xFFFFFEF7, lr;
	s5 =	simm.s32 $0xFFFFFFFF;
	p2 =	slt.u32 s8, $0xFFFFF086  }
0x1c: {  	p1 =	slt.u32 s9, $0xF7A;
	s5 =	simm.s32 @!p2 $0x0  }
0x1d: {  	s5 =	simm.s32 @p1 $0x1;
	p0 =	seq.s32 s7, s2  }
0x1e: {  	s7 =	smul.u32 @!p0 $0xF7A, s2;
	p2 =	seq.s32 @!p0 s5, $0x0  }
0x1f: {  	s9 =	smul.u32 $0xF7A, s1;
	s8 =	simm.s32 @!p0 $0x1BF5;
	p2 =	por !p2, p0  }
0x20: {  	[sflag:s8] =	ssyncset.s32 @!p0 $0xFFFFF086;
	s6 =	sadd.s32 @!p0 s3, s7;
	s7 =	simm.s32 @!p0 $0x108  }
0x21: {  	s3 =	sadd.s32 s3, s9;
	s6 =	sadd.s32 @!p0 $0x88, s6;
	s7 =	simm.s32 @p2 $0x1082  }
0x22: {  	[simem:s7], [sflag:s8] =	dma.local @!p0 [hbm:s6], $0xF7A  }
0x23: {  	s9 =	sor.u32 $0xD0000000, s2;
	s6 =	simm.s32 $0x108;
	_ =	swait.ge @!p0 [sflag:s8], $0x0  }
0x24: {  	s3 =	sadd.s32 $0x88, s3;
	s6 =	simm.s32 @!p1 $0x1082;
	[sflag:s4] =	ssyncset.s32 $0xFFFFF086  }
0x25: {  	[simem:s6], [sflag:s4] =	dma.local [hbm:s3], $0xF7A  }
0x26: {  	[smem:$0x3FA0] =	sst s1;
	(tag) =	ssettag s2;
	_ =	strace s9  }
0x27: {  	s1 =	sld [smem:$0x3FB0]  }
0x28: {  	s2 =	sld [smem:$0x3FB1]  }
0x29: {  	s4 =	sld [smem:$0x3FB3]  }
0x2a: {  	p0 =	seq.s32 s5, $0x0;
	s5 =	sld [smem:$0x3FB4]  }
0x2b: {  	s6 =	sld [smem:$0x3FB5]  }
0x2c: {  	s7 =	sld [smem:$0x3FB6]  }
0x2d: {  	s3 =	simm.s32 $0x108;
	s8 =	sld [smem:$0x3FB7]  }
0x2e: {  	s3 =	simm.s32 @!p0 $0x1082;
	s9 =	sld [smem:$0x3FB8]  }
0x2f: {  	lr =	sadd.s32 s0, s3;
	s0 =	sld [smem:$0x3FAF]  }
0x30: {  	s3 =	sld [smem:$0x3FB2]  }
0x31: {  	[smem:$0x3FBB] =	sst s10  }
0x32: {  	s10 =	sld [smem:$0x3FB9];
	_ =	sdelay $0x3  }
0x33: {  	p0 =	seq.s32 s10, $0x1;
	s10 =	sld [smem:$0x3FBB];
	_ =	sdelay $0x3  }
0x34: {  	[smem:$0x3FBB] =	sst s10  }
0x35: {  	s10 =	sld [smem:$0x3FBA];
	_ =	sdelay $0x3  }
0x36: {  	p1 =	seq.s32 s10, $0x1;
	s10 =	sld [smem:$0x3FBB];
	_ =	sdelay $0x3  }
0x37: {  	[smem:$0x3FBB] =	sst s10  }
0x38: {  	s10 =	sld [smem:$0x3FBC]  }
0x39: {  	_ = 	snop;
	(pc) =	sbr.ind lr, $3  }
0x3a: {  	_ = 	snop  }
0x3b: {  	_ = 	snop  }
0x3c: {  	p2 =	seq.s32 s10, $0x1;
	s10 =	sld [smem:$0x3FBB]  }
0x3d: {  	_ =	shalt  }
0x3e: {  	_ =	shalt  }
0x3f: {  	_ =	shalt  }
0x40: {  	_ =	shalt  }
0x41: {  	_ =	shalt  }
0x42: {  	_ =	shalt  }
0x43: {  	_ =	shalt  }
0x44: {  	_ =	shalt  }
0x45: {  	_ =	shalt  }
0x46: {  	_ =	shalt  }
0x47: {  	_ =	shalt  }
0x48: {  	_ =	shalt  }
0x49: {  	_ =	shalt  }
0x4a: {  	_ =	shalt  }
0x4b: {  	_ =	shalt  }
0x4c: {  	_ =	shalt  }
0x4d: {  	_ =	shalt  }
0x4e: {  	_ =	shalt  }
0x4f: {  	_ =	shalt  }
0x50: {  	_ =	shalt  }
0x51: {  	_ =	shalt  }
0x52: {  	_ =	shalt  }
0x53: {  	_ =	shalt  }
0x54: {  	_ =	shalt  }
0x55: {  	_ =	shalt  }
0x56: {  	_ =	shalt  }
0x57: {  	_ =	shalt  }
0x58: {  	_ =	shalt  }
0x59: {  	_ =	shalt  }
0x5a: {  	_ =	shalt  }
0x5b: {  	_ =	shalt  }
0x5c: {  	_ =	shalt  }
0x5d: {  	_ =	shalt  }
0x5e: {  	_ =	shalt  }
0x5f: {  	_ =	shalt  }
0x60: {  	_ =	shalt  }
0x61: {  	_ =	shalt  }
0x62: {  	_ =	shalt  }
0x63: {  	_ =	shalt  }
0x64: {  	_ =	shalt  }
0x65: {  	_ =	shalt  }
0x66: {  	_ =	shalt  }
0x67: {  	_ =	shalt  }
0x68: {  	_ =	shalt  }
0x69: {  	_ =	shalt  }
0x6a: {  	_ =	shalt  }
0x6b: {  	_ =	shalt  }
0x6c: {  	_ =	shalt  }
0x6d: {  	_ =	shalt  }
0x6e: {  	_ =	shalt  }
0x6f: {  	_ =	shalt  }
0x70: {  	_ =	shalt  }
0x71: {  	_ =	shalt  }
0x72: {  	_ =	shalt  }
0x73: {  	_ =	shalt  }
0x74: {  	_ =	shalt  }
0x75: {  	_ =	shalt  }
0x76: {  	_ =	shalt  }
0x77: {  	_ =	shalt  }
0x78: {  	_ =	shalt  }
0x79: {  	_ =	shalt  }
0x7a: {  	_ =	shalt  }
0x7b: {  	_ =	shalt  }
0x7c: {  	_ =	shalt  }
0x7d: {  	_ =	shalt  }
0x7e: {  	_ =	shalt  }
0x7f: {  	_ =	shalt  }
0x80: {  	_ =	shalt  }
0x81: {  	_ =	shalt  }
0x82: {  	_ =	shalt  }
0x83: {  	_ =	shalt  }
0x84: {  	_ =	shalt  }
0x85: {  	_ =	shalt  }
0x86: {  	_ =	shalt  }
0x87: {  	_ =	shalt  }
.Lfunc_end0:
.L_simem_size_0:
called_computation_lowered:
.L_overlay_start_0:
0x88: {  	s2 =	sld [smem:$0x3FD9]  }
0x89: {  	s3 =	sld [smem:$0x3FFE];
	_ =	sdelay $0x1  }
0x8a: {  	s1 =	srdreg.scid  }
0x8b: {  	s0 =	sand.u32 $0x1, s1  }
0x8c: {  	s18 =	sshll.u32 s0, $0xA;
	s2 =	sadd.s32 s3, s2  }
0x8d: {  	s2 =	sadd.s32 s2, s18  }
0x8e: {  	[smem:$0x3FC7] =	sst s2  }
0x8f: {  	_ = 	snop  }
0x90: {  	s2 =	sld [smem:$0x3FC9]  }
0x91: {  	s19 =	sld [smem:$0x3FD0];
	(tm) =	ssettm $0x1  }
0x92: {  	s4 =	sld [smem:$0x3FFB];
	_ =	sdelay $0x3  }
0x93: {  	_ =	strace s4  }
0x94: {  	s4 =	sld [smem:$0x3FFC];
	_ =	sdelay $0x3  }
0x95: {  	_ =	strace s4  }
0x96: {  	s4 =	sld [smem:$0x3FFD];
	_ =	sdelay $0x3  }
0x97: {  	_ =	strace s4  }
0x98: {  	_ =	strace $0x8FFFFFFF  }
0x99: {  	s20 =	sld [smem:$0x3FDB];
	_ =	sdelay $0x1  }
0x9a: {  	s5 =	simm.s32 $_scs_section_size  }
0x9b: {  	s6 =	simm.s32 $_size__tile_overlayer_lowered;
	s7 =	simm.s32 $_tile_overlayer_lowered  }
0x9c: {  	s23 =	simm.s32 $0x1BFF;
	s22 =	sshll.u32 s7, $0x1;
	s4 =	sadd.s32 s5, s20  }
0x9d: {  	s8 =	simm.s32 $0x0;
	s21 =	sshll.u32 s6, $0x1;
	s6 =	sadd.s32 s22, s4  }
0x9e: {  	[timem:s8], [sflag:s23] =	dma.local [hbm:s6], s21  }
0x9f: {  	_ =	swait.ge [sflag:s23], s21  }
0xa0: {  	s5 =	ssub.s32 $0x0, s21;
	[sflag:s23] =	ssyncset.done $0x0  }
0xa1: {  	[sflag:s23] =	ssyncadd.s32 s5;
	_ =	sdelay $0x1  }
0xa2: {  	s24 =	simm.s32 $0x1B8B  }
0xa3: {  	_ =	swait.ge [sflag:s24], $0x1  }
0xa4: {  	[sflag:s24] =	ssyncset.done $0x0  }
0xa5: {  	s25 =	simm.s32 $0x1B8E;
	[sflag:s24] =	ssyncadd.s32 $0xFFFFFFFF  }
0xa6: {  	s26 =	simm.s32 $execute0_lowered;
	[smem:$0x3FD2] =	sst s25  }
0xa7: {  	s5 =	sshll.u32 s26, $0x1;
	_ =	strace $0x80000046;
	[dreg:$0x1] =	wrdreg $0xFFFFFFFF  }
0xa8: {  	s28 =	simm.s32 $_size_execute0_lowered;
	s4 =	sadd.s32 s4, s5;
	[dreg:$0x0] =	wrdreg $0x0  }
0xa9: {  	s5 =	sshll.u32 s28, $0x1;
	[dreg:$0x2] =	wrdreg s4  }
0xaa: {  	[dreg:$0x3] =	wrdreg s5  }
0xab: {  	[dreg:$0x4] =	wrdreg $0xC0  }
0xac: {  	_ =	task [dreg:s8], $0x5FFFF  }
0xad: {  	[dreg:$0x1] =	wrdreg $0xFFFFFFFF  }
0xae: {  	[dreg:$0x0] =	wrdreg $0x60  }
0xaf: {  	[dreg:$0x2] =	wrdreg s2  }
0xb0: {  	[dreg:$0x3] =	wrdreg s19  }
0xb1: {  	[dreg:$0x4] =	wrdreg $0x9  }
0xb2: {  	_ =	task.clear_ibuf [dreg:s8], $0x5FFFF;
	_ =	strace $0x90000046  }
0xb3: {  	s29 =	simm.s32 $0x9;
	_ =	strace $0x80000048  }
0xb4: {  	_ =	swait.ge [sflag:s29], $0x1  }
0xb5: {  	[sflag:s29] =	ssyncadd.s32 $0xFFFFFFFF  }
0xb6: {  	_ =	strace $0x90000048  }
0xb7: {  	_ =	sfence  }
0xb8: {  	s30 =	sld [smem:$0x0];
	_ =	sdelay $0x2  }
0xb9: {  	s31 =	sshll.u32 s1, $0xD;
	s1 =	sshrl.u32 s1, $0x2  }
0xba: {  	s3 =	sand.u32 $0x4000, s31;
	s1 =	sadd.s32 s1, s30  }
0xbb: {  	s0 =	sor.u32 s3, s0;
	s1 =	sshll.u32 s1, $0x11  }
0xbc: {  	s0 =	sor.u32 s1, s0  }
0xbd: {  	s0 =	sadd.s32 $0x8F2B, s0  }
0xbe: {  	[sflag:s0] =	ssyncadd.remote.s32 $0x1  }
0xbf: {  	_ =	sfence.sel $0xFFFF  }
0xc0: {  	[dreg:$0x0] =	wrdreg $0xFFFFFFFF;
	(pc) =	sbr.abs _section_cstart, $3  }
0xc1: {  	[dreg:$0x1] =	wrdreg $0xFFFFFFFF  }
0xc2: {  	_ =	task.clear_ibuf [dreg:s8], $0x2FFFF;
	_ =	strace $0x9FFFFFFF  }
0xc3: {  	(tm) =	ssettm $0x7FFFFFFF  }
tec
execute0_lowered:
.L_overlay_start_1:
0x0: {  	(tag) =	ssettag $0x1  }
0x1: {  	v0 =	vimm.s32 $0xA9764310;
	v1 =	vimm.s32 $0x100F0D0C;
	v2 =	vimm.s32 $0x16151312  }
0x2: {  	vm0 =	vcmask $0x1F10;
	v3 =	vimm.s32 $0x21764310;
	v9 =	vlaneseq.u32  }
0x3: {  	v10 =	vimm.s32 $0x28272524;
	v11 =	vimm.s32 $0x2E2D2B2A;
	v12 =	vimm.s32 $0x1C1B1918  }
0x4: {  	v13 =	vimm.s32 $0x22211F1E;
	v14 =	vimm.s32 $0x34333130;
	v15 =	vimm.s32 $0x3A393736  }
0x5: {  	v16 =	vimm.s32 $0x52514F4E;
	v17 =	vimm.s32 $0x706F6D6C;
	v18 =	vimm.s32 $0x76757372  }
0x6: {  	v19 =	vimm.s32 $0x64636160;
	v20 =	vimm.s32 $0x6A696766;
	vm1 =	vcmask $0x2B00  }
0x7: {  	v21 =	vimm.s32 $0x1A191716;
	v22 =	vimm.s32 $0x32312F2E;
	v23 =	vimm.s32 $0x4A494746  }
0x8: {  	v24 =	vimm.s32 $0x68676564;
	v27 =	vimm.s32 $0x6E6D6B6A;
	v28 =	vimm.s32 $0x5C5B5958  }
0x9: {  	v29 =	vimm.s32 $0x62615F5E;
	v31 =	vimm.s32 $0x4E4D4B4A;
	v61 =	vimm.s32 $0x5A595756  }
0xa: {  	v62 =	vimm.s32 $0x72716F6E;
	v63 =	vimm.s32 $0x46E;
	v33 =	vimm.s32 $0x806  }
0xb: {  	v34 =	vimm.s32 $0x81E;
	v35 =	vimm.s32 $0x836;
	v36 =	vimm.s32 $0x84E  }
0xc: {  	v37 =	vimm.s32 $0x866;
	v38 =	vimm.s32 $0x87E;
	vm2 =	vcmask $0x3734  }
0xd: {  	v0 =	vunpack.c.l.s4.s8 v0;
	v1 =	vunpack.c.0.s8.s32 v1;
	v2 =	vunpack.c.0.s8.s32 v2  }
0xe: {  	v3 =	vunpack.c.l.s4.s8 v3;
	v7 =	vshrl.u32 v9, $0x3;
	v10 =	vunpack.c.0.s8.s32 v10  }
0xf: {  	v11 =	vunpack.c.0.s8.s32 v11;
	v12 =	vunpack.c.0.s8.s32 v12;
	v13 =	vunpack.c.0.s8.s32 v13  }
0x10: {  	v16 =	vunpack.c.0.s8.s32 v16;
	v17 =	vunpack.c.0.s8.s32 v17;
	v18 =	vunpack.c.0.s8.s32 v18  }
0x11: {  	v19 =	vunpack.c.0.s8.s32 v19;
	v20 =	vunpack.c.0.s8.s32 v20;
	v21 =	vunpack.c.0.s8.s32 v21  }
0x12: {  	v23 =	vunpack.c.0.s8.s32 v23;
	v24 =	vunpack.c.0.s8.s32 v24;
	v27 =	vunpack.c.0.s8.s32 v27  }
0x13: {  	v28 =	vunpack.c.0.s8.s32 v28;
	v29 =	vunpack.c.0.s8.s32 v29;
	v31 =	vunpack.c.0.s8.s32 v31  }
0x14: {  	v7 =	vmul.u32 $0x8, v7;
	v0 =	vunpack.c.0.s8.s32 v0;
	v1 =	vsel vm0, v2, v1  }
0x15: {  	v2 =	vimm.s32 $0x65320754;
	v3 =	vunpack.c.0.s8.s32 v3;
	v10 =	vsel vm0, v11, v10  }
0x16: {  	v11 =	vimm.s32 $0x403F3D3C;
	v12 =	vsel vm0, v13, v12;
	v13 =	vimm.s32 $0x46454342  }
0x17: {  	s0 =	srdreg.scid;
	s1 =	stileid.u32;
	v2 =	vunpack.c.l.s4.s8 v2;
	v11 =	vunpack.c.0.s8.s32 v11;
	v13 =	vunpack.c.0.s8.s32 v13  }
0x18: {  	s3 =	sand.u32 $0x1, s0;
	s29 =	sshll.u32 s1, $0x1;
	v10 =	vcombine.low v12, v10;
	v12 =	vunpack.c.0.s8.s32 v14;
	v0 =	vand.u32 $0xF, v0  }
0x19: {  	s0 =	sor.u32 s3, s29;
	v14 =	vunpack.c.0.s8.s32 v15;
	v15 =	vimm.s32 $0x5E5D5B5A;
	v0 =	vcombine.low v0, v1  }
0x1a: {  	s1 =	smul.u32 $0x2400, s0;
	v2 =	vunpack.c.0.s8.s32 v2;
	v11 =	vsel vm0, v13, v11;
	v13 =	vimm.s32 $0x58575554  }
0x1b: {  	v12 =	vsel vm0, v14, v12;
	v14 =	vunpack.c.0.s8.s32 v15;
	v15 =	vimm.s32 $0x4C4B4948  }
0x1c: {  	s2 =	sor.u32 $0x18, s1;
	v13 =	vunpack.c.0.s8.s32 v13;
	v15 =	vunpack.c.0.s8.s32 v15;
	v11 =	vcombine.low v12, v11  }
0x1d: {  	s30 =	sor.u32 $0x48, s1;
	v1 =	vor.u32 s1, v0;
	v2 =	vcombine.low v3, v2;
	v3 =	vadd.s32 s2, v0  }
0x1e: {  	v5 =	vadd.s32 s30, v0;
	v4 =	vshrl.u32 v1, $0x3;
	v12 =	vsel vm0, v14, v13  }
0x1f: {  	v13 =	vsel vm0, v16, v15;
	v14 =	vsel vm0, v18, v17;
	v15 =	vsel vm0, v20, v19  }
0x20: {  	v16 =	vimm.s32 $0x2017F7E;
	v17 =	vimm.s32 $0xEDBA8754;
	v18 =	vimm.s32 $0x201F1D1C  }
0x21: {  	s4 =	sor.u32 $0x30, s1;
	v19 =	vimm.s32 $0x26252322;
	v20 =	vimm.s32 $0x14131110;
	v6 =	vmul.u32 $0x18, v4  }
0x22: {  	v4 =	vadd.s32 s4, v0;
	v12 =	vcombine.low v13, v12;
	v13 =	vcombine.low v15, v14  }
0x23: {  	v16 =	vunpack.c.0.s8.s32 v16;
	v14 =	vimm.s32 $0x7C7B7978;
	v17 =	vunpack.c.l.s4.s8 v17  }
0x24: {  	v15 =	vimm.s32 $0x800;
	v18 =	vunpack.c.0.s8.s32 v18;
	v19 =	vunpack.c.0.s8.s32 v19  }
0x25: {  	v20 =	vunpack.c.0.s8.s32 v20;
	v25 =	vunpack.c.0.s8.s32 v14;
	v17 =	vunpack.c.0.s8.s32 v17  }
0x26: {  	v14 =	vsel vm1, $0x400, v15;
	vm1 =	vcmask $0x1700;
	v15 =	vimm.s32 $0x400  }
0x27: {  	v26 =	vor.u32 v2, v6;
	v16 =	vsel vm0, v16, v25;
	v17 =	vand.u32 $0xF, v17  }
0x28: {  	v6 =	vand.u32 $0x7, v9;
	v16 =	vcombine.low v16, v17;
	v17 =	vsel vm0, v19, v18  }
0x29: {  	v18 =	vimm.s32 $0x38373534;
	v19 =	vsel vm0, v21, v20;
	v20 =	vimm.s32 $0x3E3D3B3A  }
0x2a: {  	v21 =	vimm.s32 $0x2C2B2928;
	v18 =	vunpack.c.0.s8.s32 v18;
	v20 =	vunpack.c.0.s8.s32 v20  }
0x2b: {  	v17 =	vcombine.low v19, v17;
	v19 =	vunpack.c.0.s8.s32 v21;
	v21 =	vunpack.c.0.s8.s32 v22  }
0x2c: {  	v22 =	vimm.s32 $0x56555352;
	v18 =	vsel vm0, v20, v18;
	v20 =	vimm.s32 $0x504F4D4C  }
0x2d: {  	v19 =	vsel vm0, v21, v19;
	v21 =	vunpack.c.0.s8.s32 v22;
	v22 =	vimm.s32 $0x44434140  }
0x2e: {  	v9 =	vor.u32 $0x8, v9;
	v20 =	vunpack.c.0.s8.s32 v20;
	v22 =	vunpack.c.0.s8.s32 v22  }
0x2f: {  	v15 =	vsel vm1, $0x0, v15;
	v8 =	vperm.xlane v26, v6;
	v26 =	vperm.xlane v26, v9  }
0x30: {  	v18 =	vcombine.low v19, v18;
	v19 =	vsel vm0, v21, v20;
	v20 =	vsel vm0, v23, v22  }
0x31: {  	v21 =	vsel vm0, v27, v24;
	v22 =	vsel vm0, v29, v28;
	v23 =	vimm.s32 $0x7F7D7C  }
0x32: {  	v24 =	vimm.s32 $0x6050302;
	v27 =	vimm.s32 $0xFECB98;
	v28 =	vimm.s32 $0x74737170  }
0x33: {  	v29 =	vimm.s32 $0x7A797776;
	v23 =	vunpack.c.0.s8.s32 v23;
	v27 =	vunpack.c.l.s4.s8 v27  }
0x34: {  	v24 =	vunpack.c.0.s8.s32 v24;
	v28 =	vunpack.c.0.s8.s32 v28;
	v29 =	vunpack.c.0.s8.s32 v29  }
0x35: {  	v8 =	vadd.s32 v7, v8;
	v19 =	vcombine.low v20, v19;
	v20 =	vcombine.low v22, v21  }
0x36: {  	v22 =	vunpack.c.0.s8.s32 v27;
	v21 =	vsel vm0, v24, v23;
	v23 =	vsel vm0, v29, v28  }
0x37: {  	v24 =	vimm.s32 $0x12111514;
	v27 =	vimm.s32 $0x36353332;
	v28 =	vimm.s32 $0x24232120  }
0x38: {  	v21 =	vcombine.low v23, v21;
	v23 =	vunpack.c.0.s8.s32 v24;
	v24 =	vimm.s32 $0x18171B1A  }
0x39: {  	v29 =	vunpack.c.0.s8.s32 v27;
	v28 =	vunpack.c.0.s8.s32 v28;
	v22 =	vand.u32 $0xF, v22  }
0x3a: {  	v27 =	vimm.s32 $0x2A292726;
	v22 =	vnsel vm1, $0x1E, v22;
	vm1 =	vcmask $0x2718  }
0x3b: {  	v30 =	vunpack.c.0.s8.s32 v27;
	v22 =	vsel vm1, v23, v22;
	v23 =	vunpack.c.0.s8.s32 v24  }
0x3c: {  	v27 =	vimm.s32 $0x48474544;
	v24 =	vimm.s32 $0x302F2D2C;
	vm1 =	vcmask $0x3728  }
0x3d: {  	v32 =	vunpack.c.0.s8.s32 v27;
	v24 =	vunpack.c.0.s8.s32 v24;
	v27 =	vsel vm1, v23, v22  }
0x3e: {  	v23 =	vsel vm0, v30, v28;
	v28 =	vimm.s32 $0x42413F3E;
	v30 =	vimm.s32 $0x66656362  }
0x3f: {  	vm1 =	vcmask $0xF00;
	v22 =	vsel vm0, v29, v24;
	v24 =	vimm.s32 $0x3C3B3938  }
0x40: {  	v29 =	vimm.s32 $0x605F5D5C;
	v28 =	vunpack.c.0.s8.s32 v28;
	v30 =	vunpack.c.0.s8.s32 v30  }
0x41: {  	v25 =	vnsel vm1, $0x40E, v25;
	vm1 =	vcmask $0x300;
	v22 =	vcombine.low v23, v22  }
0x42: {  	v23 =	vsel vm0, v31, v32;
	v24 =	vunpack.c.0.s8.s32 v24;
	v29 =	vunpack.c.0.s8.s32 v29  }
0x43: {  	v31 =	vimm.s32 $0x54535150;
	v32 =	vsel vm1, $0x458, v63;
	v33 =	vsel vm1, $0x470, v33  }
0x44: {  	v24 =	vsel vm0, v28, v24;
	v28 =	vunpack.c.0.s8.s32 v31;
	v31 =	vunpack.c.0.s8.s32 v61  }
0x45: {  	v34 =	vsel vm1, $0x808, v34;
	v23 =	vcombine.low v24, v23;
	v24 =	vsel vm0, v30, v29  }
0x46: {  	v29 =	vimm.s32 $0x78777574;
	v30 =	vimm.s32 $0x7E7D7B7A;
	v28 =	vsel vm0, v31, v28  }
0x47: {  	v29 =	vunpack.c.0.s8.s32 v29;
	v30 =	vunpack.c.0.s8.s32 v30;
	v31 =	vimm.s32 $0x6C6B6968  }
0x48: {  	v35 =	vsel vm1, $0x820, v35;
	v24 =	vcombine.low v28, v24;
	v28 =	vunpack.c.0.s8.s32 v31  }
0x49: {  	v31 =	vunpack.c.0.s8.s32 v62;
	v29 =	vsel vm0, v30, v29;
	v30 =	vimm.s32 $0x7F7E  }
0x4a: {  	v36 =	vsel vm1, $0x838, v36;
	v37 =	vsel vm1, $0x850, v37;
	v30 =	vunpack.c.0.s8.s32 v30  }
0x4b: {  	v28 =	vsel vm0, v31, v28;
	vm0 =	vcmask $0x1710;
	v31 =	vimm.s32 $0x426  }
0x4c: {  	v38 =	vsel vm1, $0x868, v38;
	v31 =	vsel vm1, $0x410, v31;
	v30 =	vsel vm0, v30, v25  }
0x4d: {  	vm0 =	vcmask $0x704;
	v25 =	vcombine.low v28, v29;
	v29 =	vimm.s32 $0x43E  }
0x4e: {  	v28 =	vsel vm0, $0x411, v31;
	v29 =	vsel vm1, $0x428, v29;
	v31 =	vimm.s32 $0x456  }
0x4f: {  	v32 =	vsel vm0, $0x459, v32;
	v33 =	vsel vm0, $0x471, v33;
	v34 =	vsel vm0, $0x809, v34  }
0x50: {  	v35 =	vsel vm0, $0x821, v35;
	v36 =	vsel vm0, $0x839, v36;
	v37 =	vsel vm0, $0x851, v37  }
0x51: {  	v38 =	vsel vm0, $0x869, v38;
	v31 =	vsel vm1, $0x440, v31;
	vm1 =	vcmask $0xB08  }
0x52: {  	v29 =	vsel vm0, $0x429, v29;
	v28 =	vsel vm1, $0x413, v28;
	v31 =	vsel vm0, $0x441, v31  }
0x53: {  	vm0 =	vcmask $0xF0C;
	v29 =	vsel vm1, $0x42B, v29;
	v32 =	vsel vm1, $0x45B, v32  }
0x54: {  	v33 =	vsel vm1, $0x473, v33;
	v34 =	vsel vm1, $0x80B, v34;
	v35 =	vsel vm1, $0x823, v35  }
0x55: {  	v36 =	vsel vm1, $0x83B, v36;
	v37 =	vsel vm1, $0x853, v37;
	v38 =	vsel vm1, $0x86B, v38  }
0x56: {  	v28 =	vsel vm0, $0x414, v28;
	v31 =	vsel vm1, $0x443, v31;
	vm1 =	vcmask $0x1310  }
0x57: {  	v29 =	vsel vm0, $0x42C, v29;
	v32 =	vsel vm0, $0x45C, v32;
	v33 =	vsel vm0, $0x474, v33  }
0x58: {  	v34 =	vsel vm0, $0x80C, v34;
	v35 =	vsel vm0, $0x824, v35;
	v36 =	vsel vm0, $0x83C, v36  }
0x59: {  	v37 =	vsel vm0, $0x854, v37;
	v38 =	vsel vm0, $0x86C, v38;
	v31 =	vsel vm0, $0x444, v31  }
0x5a: {  	vm0 =	vcmask $0x1B18;
	v28 =	vsel vm1, $0x416, v28;
	v29 =	vsel vm1, $0x42E, v29  }
0x5b: {  	v32 =	vsel vm1, $0x45E, v32;
	v33 =	vsel vm1, $0x476, v33;
	v34 =	vsel vm1, $0x80E, v34  }
0x5c: {  	v35 =	vsel vm1, $0x826, v35;
	v36 =	vsel vm1, $0x83E, v36;
	v37 =	vsel vm1, $0x856, v37  }
0x5d: {  	v38 =	vsel vm1, $0x86E, v38;
	v31 =	vsel vm1, $0x446, v31;
	vm1 =	vcmask $0x1714  }
0x5e: {  	v30 =	vsel vm0, $0x401, v30;
	v28 =	vsel vm1, $0x417, v28;
	v29 =	vsel vm1, $0x42F, v29  }
0x5f: {  	v31 =	vsel vm1, $0x447, v31;
	v32 =	vsel vm1, $0x45F, v32;
	v33 =	vsel vm1, $0x477, v33  }
0x60: {  	v34 =	vsel vm1, $0x80F, v34;
	v35 =	vsel vm1, $0x827, v35;
	v36 =	vsel vm1, $0x83F, v36  }
0x61: {  	v37 =	vsel vm1, $0x857, v37;
	v38 =	vsel vm1, $0x86F, v38;
	vm1 =	vcmask $0x1F1C  }
0x62: {  	v30 =	vsel vm1, $0x402, v30;
	v28 =	vsel vm0, $0x419, v28;
	v29 =	vsel vm0, $0x431, v29  }
0x63: {  	v31 =	vsel vm0, $0x449, v31;
	v32 =	vsel vm0, $0x461, v32;
	v33 =	vsel vm0, $0x479, v33  }
0x64: {  	v34 =	vsel vm0, $0x811, v34;
	v35 =	vsel vm0, $0x829, v35;
	v36 =	vsel vm0, $0x841, v36  }
0x65: {  	v37 =	vsel vm0, $0x859, v37;
	v38 =	vsel vm0, $0x871, v38;
	vm0 =	vcmask $0x2320  }
0x66: {  	v30 =	vsel vm0, $0x404, v30;
	v28 =	vsel vm1, $0x41A, v28;
	v29 =	vsel vm1, $0x432, v29  }
0x67: {  	v31 =	vsel vm1, $0x44A, v31;
	v32 =	vsel vm1, $0x462, v32;
	v33 =	vsel vm1, $0x47A, v33  }
0x68: {  	v34 =	vsel vm1, $0x812, v34;
	v35 =	vsel vm1, $0x82A, v35;
	v36 =	vsel vm1, $0x842, v36  }
0x69: {  	v37 =	vsel vm1, $0x85A, v37;
	v38 =	vsel vm1, $0x872, v38;
	vm1 =	vcmask $0x2724  }
0x6a: {  	v30 =	vsel vm1, $0x405, v30;
	v28 =	vsel vm0, $0x41C, v28;
	v29 =	vsel vm0, $0x434, v29  }
0x6b: {  	v31 =	vsel vm0, $0x44C, v31;
	v32 =	vsel vm0, $0x464, v32;
	v33 =	vsel vm0, $0x47C, v33  }
0x6c: {  	v34 =	vsel vm0, $0x814, v34;
	v35 =	vsel vm0, $0x82C, v35;
	v36 =	vsel vm0, $0x844, v36  }
0x6d: {  	v37 =	vsel vm0, $0x85C, v37;
	v38 =	vsel vm0, $0x874, v38;
	vm0 =	vcmask $0x2B28  }
0x6e: {  	v30 =	vsel vm0, $0x407, v30;
	v28 =	vsel vm1, $0x41D, v28;
	v29 =	vsel vm1, $0x435, v29  }
0x6f: {  	v31 =	vsel vm1, $0x44D, v31;
	v32 =	vsel vm1, $0x465, v32;
	v33 =	vsel vm1, $0x47D, v33  }
0x70: {  	v34 =	vsel vm1, $0x815, v34;
	v35 =	vsel vm1, $0x82D, v35;
	v36 =	vsel vm1, $0x845, v36  }
0x71: {  	v37 =	vsel vm1, $0x85D, v37;
	v38 =	vsel vm1, $0x875, v38;
	vm1 =	vcmask $0x2F2C  }
0x72: {  	v30 =	vsel vm1, $0x408, v30;
	v28 =	vsel vm0, $0x41F, v28;
	v29 =	vsel vm0, $0x437, v29  }
0x73: {  	v31 =	vsel vm0, $0x44F, v31;
	v32 =	vsel vm0, $0x467, v32;
	v33 =	vsel vm0, $0x47F, v33  }
0x74: {  	v34 =	vsel vm0, $0x817, v34;
	v35 =	vsel vm0, $0x82F, v35;
	v36 =	vsel vm0, $0x847, v36  }
0x75: {  	v37 =	vsel vm0, $0x85F, v37;
	v38 =	vsel vm0, $0x877, v38;
	vm0 =	vcmask $0x3330  }
0x76: {  	v26 =	vadd.s32 v7, v26;
	v30 =	vsel vm0, $0x40A, v30;
	v28 =	vsel vm1, $0x420, v28  }
0x77: {  	v29 =	vsel vm1, $0x438, v29;
	v31 =	vsel vm1, $0x450, v31;
	v32 =	vsel vm1, $0x468, v32  }
0x78: {  	v33 =	vsel vm1, $0x800, v33;
	v34 =	vsel vm1, $0x818, v34;
	v35 =	vsel vm1, $0x830, v35  }
0x79: {  	v36 =	vsel vm1, $0x848, v36;
	v37 =	vsel vm1, $0x860, v37;
	v38 =	vsel vm1, $0x878, v38  }
0x7a: {  	vm1 =	vcmask $0x3B38;
	v28 =	vsel vm0, $0x422, v28;
	v29 =	vsel vm0, $0x43A, v29  }
0x7b: {  	v31 =	vsel vm0, $0x452, v31;
	v32 =	vsel vm0, $0x46A, v32;
	v33 =	vsel vm0, $0x802, v33  }
0x7c: {  	v34 =	vsel vm0, $0x81A, v34;
	v35 =	vsel vm0, $0x832, v35;
	v36 =	vsel vm0, $0x84A, v36  }
0x7d: {  	v37 =	vsel vm0, $0x862, v37;
	v38 =	vsel vm0, $0x87A, v38;
	v30 =	vsel vm2, $0x40B, v30  }
0x7e: {  	s5 =	simm.s32 $0x0;
	vm0 =	vmmov $0xffff;
	v27 =	vsel vm1, $0x1D, v27;
	v39 =	vsel vm2, $0x423, v28  }
0x7f: {  	s9 =	simm.s32 $0x100;
	s25 =	simm.s32 $0x6100;
	s15 =	simm.s32 $0xB500;
	v40 =	vsel vm2, $0x43B, v29;
	v31 =	vsel vm2, $0x453, v31;
	v32 =	vsel vm2, $0x46B, v32  }
0x80: {  	s16 =	simm.s32 $0xBD00;
	s17 =	simm.s32 $0x1;
	s18 =	simm.s32 $0xC100;
	v33 =	vsel vm2, $0x803, v33;
	v34 =	vsel vm2, $0x81B, v34;
	v35 =	vsel vm2, $0x833, v35  }
0x81: {  	s19 =	simm.s32 $0x2;
	s20 =	simm.s32 $0x4;
	s3 =	ssub.s32 $0x2, s3;
	v36 =	vsel vm2, $0x84B, v36;
	v37 =	vsel vm2, $0x863, v37;
	v38 =	vsel vm2, $0x87B, v38  }
0x82: {  	s21 =	simm.s32 $0x10100;
	[smem:$0x7FF] =	sst s5;
	s6 =	sshrl.u32 s3, $0x1;
	v28 =	vsel vm1, $0x40D, v30;
	v29 =	vsel vm1, $0x425, v39;
	v30 =	vsel vm1, $0x43D, v40  }
0x83: {  	s7 =	smul.u32 $0x180000, s0;
	s3 =	ssub.s32 s3, s6;
	s2 =	rddreg [dreg:$0x0];
	v31 =	vsel vm1, $0x455, v31;
	v32 =	vsel vm1, $0x46D, v32;
	v33 =	vsel vm1, $0x805, v33  }
0x84: {  	s31 =	smax.u32 s3, $0x1;
	s3 =	simm.s32 $0x0;
	[tilespmem:$0x1FFF0] =	vst v3;
	s4 =	rddreg [dreg:$0x1];
	v34 =	vsel vm1, $0x81D, v34;
	v35 =	vsel vm1, $0x835, v35;
	v36 =	vsel vm1, $0x84D, v36  }
0x85: {  	s6 =	sadd.s32 $0x100, s2;
	_ =	strace $0x80000047;
	[dreg:$0x3] =	wrdreg s31;
	v37 =	vsel vm1, $0x865, v37;
	v38 =	vsel vm1, $0x87D, v38;
	vm1 =	vmmov $0xff  }
.LBB2_1:
0x86: {  	v3 =	vld [tilespmem:$0x1FFF0];
	_ =	sdelay $0x1  }
0x87: {  	[tilespmem:$0x0] =	vst v1  }
0x88: {  	[tilespmem:$0x20] =	vst v4  }
0x89: {  	[tilespmem:$0x30] =	vst v5  }
0x8a: {  	[tilespmem:$0x10] =	vst v3  }
0x8b: {  	[tilespmem:s9], [sflag:$0x1] =	stream.indirect_vreg.gather [hbm4b:s2+s5], $0x80, v8, vm0, $0xb8;
	[tilespmem:$0x14100] =	vst v63  }
0x8c: {  	s0 =	simm.s32 $0x900  }
0x8d: {  	[tilespmem:s0], [sflag:$0x1] =	stream.indirect_vreg.gather [hbm4b:s6+s5], $0x80, v8, vm1, $0xb8;
	[tilespmem:$0x14100] =	vst v63  }
0x8e: {  	s8 =	simm.s32 $0xD00  }
0x8f: {  	[tilespmem:s8], [sflag:$0x1] =	stream.indirect_vreg.gather [hbm4b:s2+s5], $0x80, v26, vm0, $0xb8;
	[tilespmem:$0x14100] =	vst v63  }
0x90: {  	s10 =	simm.s32 $0x1500  }
0x91: {  	[tilespmem:s10], [sflag:$0x1] =	stream.indirect_vreg.gather [hbm4b:s6+s5], $0x80, v26, vm1, $0xb8;
	[tilespmem:$0x14100] =	vst v63  }
0x92: {  	v39 =	vld [tilespmem:$0x10];
	_ =	sdelay $0x4  }
0x93: {  	v40 =	vshrl.u32 v39, $0x3  }
0x94: {  	v40 =	vmul.u32 $0x18, v40  }
0x95: {  	v39 =	vand.u32 $0x7, v39  }
0x96: {  	v39 =	vor.u32 v39, v40  }
0x97: {  	v40 =	vperm.xlane v39, v6;
	_ =	sdelay $0x1  }
0x98: {  	v40 =	vadd.s32 v7, v40;
	_ =	sdelay $0x1  }
0x99: {  	v39 =	vperm.xlane v39, v9;
	_ =	sdelay $0x1  }
0x9a: {  	s11 =	simm.s32 $0x1900;
	v39 =	vadd.s32 v7, v39  }
0x9b: {  	[tilespmem:s11], [sflag:$0x1] =	stream.indirect_vreg.gather [hbm4b:s2+s5], $0x80, v40, vm0, $0xb8;
	[tilespmem:$0x14100] =	vst v63  }
0x9c: {  	s12 =	simm.s32 $0x2100  }
0x9d: {  	[tilespmem:s12], [sflag:$0x1] =	stream.indirect_vreg.gather [hbm4b:s6+s5], $0x80, v40, vm1, $0xb8;
	[tilespmem:$0x14100] =	vst v63  }
0x9e: {  	s13 =	simm.s32 $0x2500  }
0x9f: {  	[tilespmem:s13], [sflag:$0x1] =	stream.indirect_vreg.gather [hbm4b:s2+s5], $0x80, v39, vm0, $0xb8;
	[tilespmem:$0x14100] =	vst v63  }
0xa0: {  	s14 =	simm.s32 $0x2D00  }
0xa1: {  	[tilespmem:s14], [sflag:$0x1] =	stream.indirect_vreg.gather [hbm4b:s6+s5], $0x80, v39, vm1, $0xb8;
	[tilespmem:$0x14100] =	vst v63  }
0xa2: {  	v39 =	vld [tilespmem:$0x20];
	_ =	sdelay $0x4  }
0xa3: {  	v62 =	vshrl.u32 v39, $0x3  }
0xa4: {  	v40 =	vmul.u32 $0x18, v62  }
0xa5: {  	v39 =	vand.u32 $0x7, v39  }
0xa6: {  	v39 =	vor.u32 v39, v40  }
0xa7: {  	v40 =	vperm.xlane v39, v6;
	_ =	sdelay $0x1  }
0xa8: {  	v40 =	vadd.s32 v7, v40;
	_ =	sdelay $0x1  }
0xa9: {  	v39 =	vperm.xlane v39, v9;
	_ =	sdelay $0x1  }
0xaa: {  	s22 =	simm.s32 $0x3100;
	v39 =	vadd.s32 v7, v39  }
0xab: {  	[tilespmem:s22], [sflag:$0x1] =	stream.indirect_vreg.gather [hbm4b:s2+s5], $0x80, v40, vm0, $0xb8;
	[tilespmem:$0x14100] =	vst v63  }
0xac: {  	s23 =	simm.s32 $0x3900  }
0xad: {  	[tilespmem:s23], [sflag:$0x1] =	stream.indirect_vreg.gather [hbm4b:s6+s5], $0x80, v40, vm1, $0xb8;
	[tilespmem:$0x14100] =	vst v63  }
0xae: {  	s24 =	simm.s32 $0x3D00  }
0xaf: {  	[tilespmem:s24], [sflag:$0x1] =	stream.indirect_vreg.gather [hbm4b:s2+s5], $0x80, v39, vm0, $0xb8;
	[tilespmem:$0x14100] =	vst v63  }
0xb0: {  	s26 =	simm.s32 $0x4500  }
0xb1: {  	[tilespmem:s26], [sflag:$0x1] =	stream.indirect_vreg.gather [hbm4b:s6+s5], $0x80, v39, vm1, $0xb8;
	[tilespmem:$0x14100] =	vst v63  }
0xb2: {  	v39 =	vld [tilespmem:$0x30];
	_ =	sdelay $0x4  }
0xb3: {  	v63 =	vshrl.u32 v39, $0x3  }
0xb4: {  	v40 =	vmul.u32 $0x18, v63  }
0xb5: {  	v39 =	vand.u32 $0x7, v39  }
0xb6: {  	v39 =	vor.u32 v39, v40  }
0xb7: {  	v40 =	vperm.xlane v39, v6;
	_ =	sdelay $0x1  }
0xb8: {  	v40 =	vadd.s32 v7, v40;
	_ =	sdelay $0x1  }
0xb9: {  	v39 =	vperm.xlane v39, v9;
	_ =	sdelay $0x1  }
0xba: {  	s28 =	simm.s32 $0x4900;
	v39 =	vadd.s32 v7, v39  }
0xbb: {  	[tilespmem:s28], [sflag:$0x1] =	stream.indirect_vreg.gather [hbm4b:s2+s5], $0x80, v40, vm0, $0xb8;
	[tilespmem:$0x14100] =	vst v63  }
0xbc: {  	s29 =	simm.s32 $0x5100  }
0xbd: {  	[tilespmem:s29], [sflag:$0x1] =	stream.indirect_vreg.gather [hbm4b:s6+s5], $0x80, v40, vm1, $0xb8;
	[tilespmem:$0x14100] =	vst v63  }
0xbe: {  	s30 =	simm.s32 $0x5500  }
0xbf: {  	[tilespmem:s30], [sflag:$0x1] =	stream.indirect_vreg.gather [hbm4b:s2+s5], $0x80, v39, vm0, $0xb8;
	[tilespmem:$0x14100] =	vst v63  }
0xc0: {  	[dreg:$0x4] =	wrdreg s3;
	s31 =	simm.s32 $0x5D00;
	s22 =	simm.s32 $0x0  }
0xc1: {  	[tilespmem:s31], [sflag:$0x1] =	stream.indirect_vreg.gather [hbm4b:s6+s5], $0x80, v39, vm1, $0xb8;
	[tilespmem:$0x14100] =	vst v63  }
.LBB2_2:
0xc2: {  	s23 =	sshllo.u32 s22, $0x1;
	s0 =	sshrl.u32 s22, $0x1  }
0xc3: {  	s0 =	smul.u32 $0x180, s0;
	s3 =	sand.u32 $0x3, s23  }
0xc4: {  	s3 =	smul.u32 $0x60, s3  }
0xc5: {  	s0 =	sadd.s32 s1, s0  }
0xc6: {  	s0 =	sadd.s32 s3, s0  }
0xc7: {  	v39 =	vor.u32 s0, v0  }
0xc8: {  	v40 =	vshrl.u32 v39, $0x3  }
0xc9: {  	v40 =	vmul.u32 $0x18, v40;
	_ =	sdelay $0x1  }
0xca: {  	v40 =	vor.u32 v2, v40  }
0xcb: {  	v41 =	vperm.xlane v40, v6;
	_ =	sdelay $0x1  }
0xcc: {  	s3 =	sor.u32 $0x18, s0;
	v41 =	vadd.s32 v7, v41  }
0xcd: {  	s12 =	sadd.s32 $0x30, s0;
	[tilespmem:$0x80] =	vst v39;
	v62 =	vadd.s32 s3, v0  }
0xce: {  	s0 =	sadd.s32 $0x48, s0;
	v63 =	vadd.s32 s12, v0;
	[tilespmem:$0x90] =	vst v62;
	v40 =	vperm.xlane v40, v9  }
0xcf: {  	v44 =	vadd.s32 s0, v0;
	[tilespmem:$0xA0] =	vst v63  }
0xd0: {  	[tilespmem:$0xB0] =	vst v44;
	v45 =	vadd.s32 v7, v40  }
0xd1: {  	[tilespmem:s25], [sflag:$0x2] =	stream.indirect_vreg.gather [hbm4b:s2+s5], $0x80, v41, vm0, $0xb8;
	[tilespmem:$0x14100] =	vst v63  }
0xd2: {  	s13 =	simm.s32 $0x6900  }
0xd3: {  	[tilespmem:s13], [sflag:$0x2] =	stream.indirect_vreg.gather [hbm4b:s6+s5], $0x80, v41, vm1, $0xb8;
	[tilespmem:$0x14100] =	vst v63  }
0xd4: {  	s14 =	simm.s32 $0x6D00  }
0xd5: {  	[tilespmem:s14], [sflag:$0x2] =	stream.indirect_vreg.gather [hbm4b:s2+s5], $0x80, v45, vm0, $0xb8;
	[tilespmem:$0x14100] =	vst v63  }
0xd6: {  	s24 =	simm.s32 $0x7500  }
0xd7: {  	[tilespmem:s24], [sflag:$0x2] =	stream.indirect_vreg.gather [hbm4b:s6+s5], $0x80, v45, vm1, $0xb8;
	[tilespmem:$0x14100] =	vst v63  }
0xd8: {  	v39 =	vld [tilespmem:$0x90];
	_ =	sdelay $0x4  }
0xd9: {  	v46 =	vshrl.u32 v39, $0x3  }
0xda: {  	v40 =	vmul.u32 $0x18, v46  }
0xdb: {  	v39 =	vand.u32 $0x7, v39  }
0xdc: {  	v39 =	vor.u32 v39, v40  }
0xdd: {  	v40 =	vperm.xlane v39, v6;
	_ =	sdelay $0x1  }
0xde: {  	v40 =	vadd.s32 v7, v40;
	_ =	sdelay $0x1  }
0xdf: {  	v39 =	vperm.xlane v39, v9;
	_ =	sdelay $0x1  }
0xe0: {  	s26 =	simm.s32 $0x7900;
	v39 =	vadd.s32 v7, v39  }
0xe1: {  	[tilespmem:s26], [sflag:$0x2] =	stream.indirect_vreg.gather [hbm4b:s2+s5], $0x80, v40, vm0, $0xb8;
	[tilespmem:$0x14100] =	vst v63  }
0xe2: {  	s3 =	simm.s32 $0x8100  }
0xe3: {  	[tilespmem:s3], [sflag:$0x2] =	stream.indirect_vreg.gather [hbm4b:s6+s5], $0x80, v40, vm1, $0xb8;
	[tilespmem:$0x14100] =	vst v63  }
0xe4: {  	s8 =	simm.s32 $0x8500  }
0xe5: {  	[tilespmem:s8], [sflag:$0x2] =	stream.indirect_vreg.gather [hbm4b:s2+s5], $0x80, v39, vm0, $0xb8;
	[tilespmem:$0x14100] =	vst v63  }
0xe6: {  	s10 =	simm.s32 $0x8D00  }
0xe7: {  	[tilespmem:s10], [sflag:$0x2] =	stream.indirect_vreg.gather [hbm4b:s6+s5], $0x80, v39, vm1, $0xb8;
	[tilespmem:$0x14100] =	vst v63  }
0xe8: {  	v39 =	vld [tilespmem:$0xA0];
	_ =	sdelay $0x4  }
0xe9: {  	v47 =	vshrl.u32 v39, $0x3  }
0xea: {  	v40 =	vmul.u32 $0x18, v47  }
0xeb: {  	v39 =	vand.u32 $0x7, v39  }
0xec: {  	v39 =	vor.u32 v39, v40  }
0xed: {  	v40 =	vperm.xlane v39, v6;
	_ =	sdelay $0x1  }
0xee: {  	v40 =	vadd.s32 v7, v40;
	_ =	sdelay $0x1  }
0xef: {  	v39 =	vperm.xlane v39, v9;
	_ =	sdelay $0x1  }
0xf0: {  	s11 =	simm.s32 $0x9100;
	v39 =	vadd.s32 v7, v39  }
0xf1: {  	[tilespmem:s11], [sflag:$0x2] =	stream.indirect_vreg.gather [hbm4b:s2+s5], $0x80, v40, vm0, $0xb8;
	[tilespmem:$0x14100] =	vst v63  }
0xf2: {  	s12 =	simm.s32 $0x9900  }
0xf3: {  	[tilespmem:s12], [sflag:$0x2] =	stream.indirect_vreg.gather [hbm4b:s6+s5], $0x80, v40, vm1, $0xb8;
	[tilespmem:$0x14100] =	vst v63  }
0xf4: {  	s13 =	simm.s32 $0x9D00  }
0xf5: {  	[tilespmem:s13], [sflag:$0x2] =	stream.indirect_vreg.gather [hbm4b:s2+s5], $0x80, v39, vm0, $0xb8;
	[tilespmem:$0x14100] =	vst v63  }
0xf6: {  	s14 =	simm.s32 $0xA500  }
0xf7: {  	[tilespmem:s14], [sflag:$0x2] =	stream.indirect_vreg.gather [hbm4b:s6+s5], $0x80, v39, vm1, $0xb8;
	[tilespmem:$0x14100] =	vst v63  }
0xf8: {  	v39 =	vld [tilespmem:$0xB0];
	_ =	sdelay $0x4  }
0xf9: {  	v48 =	vshrl.u32 v39, $0x3  }
0xfa: {  	v40 =	vmul.u32 $0x18, v48  }
0xfb: {  	v39 =	vand.u32 $0x7, v39  }
0xfc: {  	v39 =	vor.u32 v39, v40  }
0xfd: {  	v40 =	vperm.xlane v39, v6;
	_ =	sdelay $0x1  }
0xfe: {  	v40 =	vadd.s32 v7, v40;
	_ =	sdelay $0x1  }
0xff: {  	v39 =	vperm.xlane v39, v9;
	_ =	sdelay $0x1  }
0x100: {  	s24 =	simm.s32 $0xA900;
	v39 =	vadd.s32 v7, v39  }
0x101: {  	[tilespmem:s24], [sflag:$0x2] =	stream.indirect_vreg.gather [hbm4b:s2+s5], $0x80, v40, vm0, $0xb8;
	[tilespmem:$0x14100] =	vst v63  }
0x102: {  	s26 =	simm.s32 $0xB100;
	s3 =	simm.s32 $0x1  }
0x103: {  	[tilespmem:s26], [sflag:$0x2] =	stream.indirect_vreg.gather [hbm4b:s6+s5], $0x80, v40, vm1, $0xb8;
	[tilespmem:$0x14100] =	vst v63  }
0x104: {  	v49 =	vmov s3  }
0x105: {  	v50 =	vshrl.u32 v49, $0x3;
	[tilespmem:s15], [sflag:$0x2] =	stream.indirect_vreg.gather [hbm4b:s2+s5], $0x80, v39, vm0, $0xb8;
	[tilespmem:$0x14100] =	vst v63  }
0x106: {  	s8 =	simm.s32 $0x0;
	v41 =	vmul.u32 $0xC00, v50;
	v40 =	vshll.u32 v49, $0x7  }
0x107: {  	v52 =	vmov s8;
	v51 =	vand.u32 $0x380, v40;
	[tilespmem:s16], [sflag:$0x2] =	stream.indirect_vreg.gather [hbm4b:s6+s5], $0x80, v39, vm1, $0xb8;
	[tilespmem:$0x14100] =	vst v63  }
0x108: {  	v54 =	vshrl.u32 v52, $0x3;
	v44 =	vor.u32 v51, v41;
	_ =	swait.ge [sflag:s17], $0x6000  }
0x109: {  	p0 =	seq.s32 s22, $0x0;
	v41 =	vmul.u32 $0xC00, v54;
	v53 =	vor.u32 v0, v44;
	v39 =	vshll.u32 v52, $0x7;
	[sflag:s17] =	ssyncset.done $0x0  }
0x10a: {  	s3 =	simm.s32 @!p0 $0x3;
	v39 =	vand.u32 $0x300, v39;
	[sflag:s17] =	ssyncadd.s32 $0xFFFFA000  }
0x10b: {  	v42 =	vor.u32 v39, v41;
	_ =	swait.ge @!p0 [sflag:s3], $0x4000  }
0x10c: {  	v39 =	vor.u32 v0, v42;
	[sflag:s3] =	ssyncset.done @!p0 $0x0  }
0x10d: {  	[sflag:s3] =	ssyncadd.s32 @!p0 $0xFFFFC000  }
0x10e: {  	v40 =	vld.idx.msk [tilespmem:v53+s9+$0x0], $0xffff  }
0x10f: {  	v55 =	vor.u32 v10, v44  }
0x110: {  	s0 =	sand.u32 $0x3800, s8;
	s10 =	simm.s32 $0x80  }
0x111: {  	s8 =	sor.u32 $0xC100, s0;
	s11 =	sand.u32 $0x380, s10;
	v39 =	vld.idx.msk [tilespmem:v39+s9+$0x0], $0xffff  }
0x112: {  	s0 =	sadd.s32 s11, s8;
	v56 =	vor.u32 v10, v42  }
0x113: {  	s12 =	simm.s32 $0x0;
	[tilespmem:s0+$0x0] =	vst v40  }
0x114: {  	s3 =	sand.u32 $0x300, s12;
	v41 =	vld.idx.msk [tilespmem:v55+s9+$0x0], $0xffff  }
0x115: {  	v43 =	vor.u32 v11, v44;
	s29 =	sadd.s32 s3, s8  }
0x116: {  	[tilespmem:s29+$0x0] =	vst v39  }
0x117: {  	v39 =	vld.idx.msk [tilespmem:v56+s9+$0x0], $0xffff  }
0x118: {  	v57 =	vor.u32 v11, v42  }
0x119: {  	[tilespmem:s0+$0x10] =	vst v41  }
0x11a: {  	v41 =	vld.idx.msk [tilespmem:v43+s9+$0x0], $0xffff  }
0x11b: {  	v58 =	vor.u32 v12, v44  }
0x11c: {  	s14 =	simm.s32 $0x3;
	[tilespmem:s29+$0x10] =	vst v39  }
0x11d: {  	s13 =	simm.s32 $0x2;
	v60 =	vmov s14;
	v45 =	vld.idx.msk [tilespmem:v57+s9+$0x0], $0xffff  }
0x11e: {  	v59 =	vmov s13;
	v46 =	vshrl.u32 v60, $0x3;
	v47 =	vor.u32 v12, v42  }
0x11f: {  	v61 =	vshrl.u32 v59, $0x3;
	v46 =	vmul.u32 $0xC00, v46;
	v40 =	vshll.u32 v60, $0x7;
	[tilespmem:s0+$0x20] =	vst v41  }
0x120: {  	v40 =	vand.u32 $0x380, v40;
	v39 =	vshll.u32 v59, $0x7;
	v41 =	vmul.u32 $0xC00, v61;
	v43 =	vld.idx.msk [tilespmem:v58+s9+$0x0], $0xffff  }
0x121: {  	v48 =	vor.u32 v13, v44;
	v40 =	vor.u32 v40, v46;
	v39 =	vand.u32 $0x300, v39  }
0x122: {  	v62 =	vor.u32 v0, v40;
	[tilespmem:s29+$0x20] =	vst v45;
	v46 =	vor.u32 v39, v41  }
0x123: {  	v45 =	vld.idx.msk [tilespmem:v47+s9+$0x0], $0xffff;
	v41 =	vor.u32 v0, v46  }
0x124: {  	v63 =	vor.u32 v13, v42  }
0x125: {  	[tilespmem:s0+$0x30] =	vst v43  }
0x126: {  	v52 =	vld.idx.msk [tilespmem:v48+s9+$0x0], $0xffff  }
0x127: {  	v53 =	vadd.s32 v28, v44;
	v39 =	vld.idx.msk [tilespmem:v62+s9+$0x0], $0xffff  }
0x128: {  	s24 =	simm.s32 $0x200;
	v54 =	vor.u32 v10, v40;
	[tilespmem:s29+$0x30] =	vst v45;
	v41 =	vld.idx.msk [tilespmem:v41+s9+$0x0], $0xffff  }
0x129: {  	s26 =	simm.s32 $0x180;
	v49 =	vadd.s32 v16, v42;
	s3 =	sand.u32 $0x3800, s24;
	v55 =	vor.u32 v10, v46;
	v43 =	vld.idx.msk [tilespmem:v63+s9+$0x0], $0xffff  }
0x12a: {  	s10 =	simm.s32 $0x100;
	v49 =	vadd.s32 v15, v49;
	s8 =	sand.u32 $0x380, s26;
	s3 =	sor.u32 $0xC100, s3  }
0x12b: {  	s10 =	sand.u32 $0x300, s10;
	s30 =	sadd.s32 s8, s3;
	[tilespmem:s0+$0x40] =	vst v52  }
0x12c: {  	s24 =	sadd.s32 s10, s3;
	[tilespmem:s30+$0x0] =	vst v39;
	v48 =	vld.idx.msk [tilespmem:v53+s9+$0x0], $0xffff  }
0x12d: {  	v50 =	vadd.s32 v29, v44;
	v39 =	vld.idx.msk [tilespmem:v54+s9+$0x0], $0xffff;
	[tilespmem:s24+$0x0] =	vst v41  }
0x12e: {  	v56 =	vor.u32 v11, v40;
	[tilespmem:s29+$0x40] =	vst v43;
	v41 =	vld.idx.msk [tilespmem:v55+s9+$0x0], $0xffff  }
0x12f: {  	v47 =	vadd.s32 $0x400, v42;
	v58 =	vor.u32 v11, v46;
	v57 =	vld.idx.msk [tilespmem:v49+s9+$0x0], $0xffff  }
0x130: {  	v59 =	vor.u32 v17, v47  }
0x131: {  	[tilespmem:s0+$0x50] =	vst v48  }
0x132: {  	[tilespmem:s30+$0x10] =	vst v39;
	v50 =	vld.idx.msk [tilespmem:v50+s9+$0x0], $0xffff  }
0x133: {  	v51 =	vadd.s32 v30, v44;
	v39 =	vld.idx.msk [tilespmem:v56+s9+$0x0], $0xffff;
	[tilespmem:s24+$0x10] =	vst v41  }
0x134: {  	v60 =	vor.u32 v12, v40;
	[tilespmem:s29+$0x50] =	vst v57;
	v41 =	vld.idx.msk [tilespmem:v58+s9+$0x0], $0xffff  }
0x135: {  	v61 =	vor.u32 v12, v46;
	v45 =	vld.idx.msk [tilespmem:v59+s9+$0x0], $0xffff  }
0x136: {  	v62 =	vor.u32 v18, v47  }
0x137: {  	s11 =	simm.s32 $0x4;
	s12 =	simm.s32 $0x5;
	[tilespmem:s0+$0x60] =	vst v50  }
0x138: {  	v63 =	vadd.s32 v31, v44;
	v52 =	vmov s11;
	[tilespmem:s30+$0x20] =	vst v39;
	v57 =	vmov s12;
	v50 =	vld.idx.msk [tilespmem:v51+s9+$0x0], $0xffff  }
0x139: {  	v56 =	vshrl.u32 v52, $0x3;
	v52 =	vshll.u32 v52, $0x7;
	v43 =	vld.idx.msk [tilespmem:v60+s9+$0x0], $0xffff;
	v59 =	vshrl.u32 v57, $0x3;
	[tilespmem:s24+$0x20] =	vst v41  }
0x13a: {  	v60 =	vor.u32 v13, v40;
	v39 =	vmul.u32 $0xC00, v59;
	[tilespmem:s29+$0x60] =	vst v45;
	v41 =	vshll.u32 v57, $0x7;
	v58 =	vld.idx.msk [tilespmem:v61+s9+$0x0], $0xffff  }
0x13b: {  	v53 =	vmul.u32 $0xC00, v56;
	v49 =	vld.idx.msk [tilespmem:v62+s9+$0x0], $0xffff;
	v61 =	vor.u32 v13, v46;
	v41 =	vand.u32 $0x380, v41  }
0x13c: {  	v54 =	vor.u32 v19, v47;
	v52 =	vand.u32 $0x300, v52;
	v39 =	vor.u32 v41, v39  }
0x13d: {  	v41 =	vor.u32 v52, v53;
	v62 =	vor.u32 v0, v39;
	[tilespmem:s0+$0x70] =	vst v50  }
0x13e: {  	[tilespmem:s30+$0x30] =	vst v43;
	v51 =	vld.idx.msk [tilespmem:v63+s9+$0x0], $0xffff;
	v63 =	vor.u32 v0, v41  }
0x13f: {  	v55 =	vadd.s32 v32, v44;
	v57 =	vld.idx.msk [tilespmem:v60+s9+$0x0], $0xffff;
	[tilespmem:s24+$0x30] =	vst v58  }
0x140: {  	[tilespmem:s29+$0x70] =	vst v49;
	v58 =	vld.idx.msk [tilespmem:v61+s9+$0x0], $0xffff  }
0x141: {  	v59 =	vadd.s32 v16, v46;
	v60 =	vadd.s32 v28, v40;
	v61 =	vld.idx.msk [tilespmem:v54+s9+$0x0], $0xffff  }
0x142: {  	v49 =	vadd.s32 v15, v59;
	v52 =	vld.idx.msk [tilespmem:v62+s9+$0x0], $0xffff  }
0x143: {  	v47 =	vor.u32 v20, v47;
	[tilespmem:s0+$0x400] =	vst v51;
	v43 =	vld.idx.msk [tilespmem:v63+s9+$0x0], $0xffff  }
0x144: {  	s13 =	simm.s32 $0x400;
	v63 =	vor.u32 v10, v39;
	v51 =	vld.idx.msk [tilespmem:v55+s9+$0x0], $0xffff  }
0x145: {  	s26 =	simm.s32 $0x280;
	s3 =	sand.u32 $0x3800, s13;
	[tilespmem:s30+$0x40] =	vst v57;
	v62 =	vadd.s32 v33, v44  }
0x146: {  	s10 =	sand.u32 $0x380, s26;
	s3 =	sor.u32 $0xC100, s3;
	v45 =	vor.u32 v10, v41;
	v48 =	vld.idx.msk [tilespmem:v60+s9+$0x0], $0xffff;
	[tilespmem:s24+$0x40] =	vst v58  }
0x147: {  	s26 =	sadd.s32 s10, s3;
	s11 =	simm.s32 $0x200;
	v53 =	vadd.s32 v29, v40;
	v50 =	vadd.s32 $0x400, v46;
	[tilespmem:s29+$0x400] =	vst v61;
	v49 =	vld.idx.msk [tilespmem:v49+s9+$0x0], $0xffff  }
0x148: {  	s14 =	simm.s32 $0x6;
	s11 =	sand.u32 $0x300, s11;
	v56 =	vor.u32 v17, v50;
	v57 =	vadd.s32 v21, v42;
	v47 =	vld.idx.msk [tilespmem:v47+s9+$0x0], $0xffff;
	[tilespmem:s26+$0x0] =	vst v52  }
0x149: {  	s28 =	sadd.s32 s11, s3;
	v60 =	vmov s14;
	v57 =	vadd.s32 v14, v57;
	v55 =	vld.idx.msk [tilespmem:v63+s9+$0x0], $0xffff;
	[tilespmem:s0+$0x410] =	vst v51  }
0x14a: {  	v61 =	vshrl.u32 v60, $0x3;
	[tilespmem:s28+$0x0] =	vst v43;
	v51 =	vshll.u32 v60, $0x7;
	v60 =	vor.u32 v11, v39;
	v52 =	vld.idx.msk [tilespmem:v62+s9+$0x0], $0xffff  }
0x14b: {  	[tilespmem:s30+$0x50] =	vst v48;
	v63 =	vadd.s32 v34, v44;
	v58 =	vld.idx.msk [tilespmem:v45+s9+$0x0], $0xffff;
	v62 =	vmul.u32 $0xC00, v61  }
0x14c: {  	v59 =	vand.u32 $0x300, v51;
	v61 =	vor.u32 v11, v41;
	[tilespmem:s24+$0x50] =	vst v49;
	v49 =	vld.idx.msk [tilespmem:v53+s9+$0x0], $0xffff  }
0x14d: {  	[tilespmem:s29+$0x410] =	vst v47;
	v47 =	vadd.s32 v30, v40;
	v56 =	vld.idx.msk [tilespmem:v56+s9+$0x0], $0xffff;
	v43 =	vor.u32 v59, v62  }
0x14e: {  	v57 =	vld.idx.msk [tilespmem:v57+s9+$0x0], $0xffff;
	v62 =	vor.u32 v0, v43;
	[tilespmem:s26+$0x10] =	vst v55  }
0x14f: {  	v45 =	vadd.s32 $0x800, v42;
	v51 =	vld.idx.msk [tilespmem:v60+s9+$0x0], $0xffff;
	[tilespmem:s0+$0x420] =	vst v52;
	v52 =	vor.u32 v18, v50  }
0x150: {  	[tilespmem:s28+$0x10] =	vst v58;
	v42 =	vld.idx.msk [tilespmem:v63+s9+$0x0], $0xffff;
	v63 =	vor.u32 v27, v45  }
0x151: {  	v60 =	vadd.s32 v35, v44;
	v48 =	vld.idx.msk [tilespmem:v61+s9+$0x0], $0xffff;
	[tilespmem:s30+$0x60] =	vst v49  }
0x152: {  	v61 =	vor.u32 v12, v39;
	v47 =	vld.idx.msk [tilespmem:v47+s9+$0x0], $0xffff  }
0x153: {  	[tilespmem:s24+$0x60] =	vst v56;
	v53 =	vld.idx.msk [tilespmem:v62+s9+$0x0], $0xffff;
	v62 =	vor.u32 v12, v41  }
0x154: {  	[tilespmem:s29+$0x420] =	vst v57;
	v56 =	vadd.s32 v31, v40;
	v52 =	vld.idx.msk [tilespmem:v52+s9+$0x0], $0xffff  }
0x155: {  	s12 =	simm.s32 $0x7;
	v54 =	vld.idx.msk [tilespmem:v63+s9+$0x0], $0xffff;
	[tilespmem:s0+$0x430] =	vst v42;
	v42 =	vor.u32 v19, v50  }
0x156: {  	v55 =	vor.u32 v22, v45;
	v57 =	vmov s12;
	[tilespmem:s26+$0x20] =	vst v51;
	v51 =	vld.idx.msk [tilespmem:v60+s9+$0x0], $0xffff  }
0x157: {  	v58 =	vadd.s32 v36, v44;
	v59 =	vshrl.u32 v57, $0x3;
	[tilespmem:s28+$0x20] =	vst v48;
	v48 =	vld.idx.msk [tilespmem:v61+s9+$0x0], $0xffff  }
0x158: {  	v57 =	vshll.u32 v57, $0x7;
	[tilespmem:s30+$0x70] =	vst v47;
	v63 =	vmul.u32 $0xC00, v59;
	v60 =	vor.u32 v13, v39;
	v49 =	vld.idx.msk [tilespmem:v62+s9+$0x0], $0xffff  }
0x159: {  	v61 =	vand.u32 $0x380, v57;
	v59 =	vor.u32 v13, v41;
	[tilespmem:s24+$0x70] =	vst v52;
	v52 =	vld.idx.msk [tilespmem:v56+s9+$0x0], $0xffff  }
0x15a: {  	v62 =	vadd.s32 v32, v40;
	v57 =	vld.idx.msk [tilespmem:v42+s9+$0x0], $0xffff;
	[tilespmem:s29+$0x430] =	vst v54;
	v42 =	vor.u32 v61, v63  }
0x15b: {  	v54 =	vld.idx.msk [tilespmem:v55+s9+$0x0], $0xffff;
	[tilespmem:s0+$0x440] =	vst v51;
	v63 =	vor.u32 v0, v42  }
0x15c: {  	v50 =	vor.u32 v20, v50;
	[tilespmem:s26+$0x30] =	vst v48;
	v48 =	vld.idx.msk [tilespmem:v58+s9+$0x0], $0xffff  }
0x15d: {  	v55 =	vadd.s32 v37, v44;
	[tilespmem:s28+$0x30] =	vst v49;
	v49 =	vld.idx.msk [tilespmem:v60+s9+$0x0], $0xffff  }
0x15e: {  	v61 =	vadd.s32 v16, v41;
	v56 =	vld.idx.msk [tilespmem:v59+s9+$0x0], $0xffff;
	v59 =	vadd.s32 v28, v39;
	[tilespmem:s30+$0x400] =	vst v52  }
0x15f: {  	v52 =	vadd.s32 v15, v61;
	v58 =	vld.idx.msk [tilespmem:v62+s9+$0x0], $0xffff  }
0x160: {  	[tilespmem:s24+$0x400] =	vst v57;
	v57 =	vor.u32 v23, v45;
	v51 =	vld.idx.msk [tilespmem:v63+s9+$0x0], $0xffff  }
0x161: {  	v60 =	vadd.s32 v33, v40;
	v50 =	vld.idx.msk [tilespmem:v50+s9+$0x0], $0xffff;
	[tilespmem:s0+$0x450] =	vst v48  }
0x162: {  	s8 =	simm.s32 $0x600;
	v48 =	vor.u32 v10, v42;
	[tilespmem:s26+$0x40] =	vst v49;
	v55 =	vld.idx.msk [tilespmem:v55+s9+$0x0], $0xffff  }
0x163: {  	s13 =	sand.u32 $0x3800, s8;
	s10 =	simm.s32 $0x380;
	v61 =	vor.u32 v10, v43;
	[tilespmem:s28+$0x40] =	vst v56;
	v56 =	vld.idx.msk [tilespmem:v59+s9+$0x0], $0xffff  }
0x164: {  	s3 =	sor.u32 $0xC100, s13;
	s14 =	simm.s32 $0x300;
	s12 =	sand.u32 $0x380, s10;
	v44 =	vadd.s32 v38, v44;
	[tilespmem:s29+$0x440] =	vst v54;
	v52 =	vld.idx.msk [tilespmem:v52+s9+$0x0], $0xffff  }
0x165: {  	s13 =	simm.s32 $0x8;
	s11 =	sand.u32 $0x300, s14;
	s31 =	sadd.s32 s12, s3;
	v47 =	vadd.s32 $0x400, v41;
	v54 =	vadd.s32 v29, v39;
	[tilespmem:s30+$0x410] =	vst v58;
	v49 =	vld.idx.msk [tilespmem:v57+s9+$0x0], $0xffff  }
0x166: {  	s3 =	sadd.s32 s11, s3;
	v57 =	vmov s13;
	v58 =	vadd.s32 v21, v46;
	[tilespmem:s31+$0x0] =	vst v51;
	v51 =	vor.u32 v17, v47;
	v59 =	vld.idx.msk [tilespmem:v60+s9+$0x0], $0xffff  }
0x167: {  	[tilespmem:s3+$0x0] =	vst v53;
	v60 =	vshrl.u32 v57, $0x3;
	v53 =	vadd.s32 v14, v58;
	v48 =	vld.idx.msk [tilespmem:v48+s9+$0x0], $0xffff  }
0x168: {  	v57 =	vshll.u32 v57, $0x7;
	v58 =	vmul.u32 $0xC00, v60;
	v60 =	vld.idx.msk [tilespmem:v61+s9+$0x0], $0xffff;
	v61 =	vadd.s32 v34, v40;
	[tilespmem:s0+$0x460] =	vst v55  }
0x169: {  	v63 =	vor.u32 v11, v42;
	v62 =	vand.u32 $0x300, v57;
	[tilespmem:s26+$0x50] =	vst v56;
	v56 =	vld.idx.msk [tilespmem:v44+s9+$0x0], $0xffff  }
0x16a: {  	v55 =	vor.u32 v11, v43;
	v44 =	vor.u32 v62, v58;
	[tilespmem:s28+$0x50] =	vst v52;
	v52 =	vld.idx.msk [tilespmem:v54+s9+$0x0], $0xffff  }
0x16b: {  	[tilespmem:s24+$0x410] =	vst v50;
	v54 =	vor.u32 v0, v44;
	v51 =	vld.idx.msk [tilespmem:v51+s9+$0x0], $0xffff  }
0x16c: {  	v58 =	vadd.s32 v30, v39;
	v53 =	vld.idx.msk [tilespmem:v53+s9+$0x0], $0xffff;
	[tilespmem:s30+$0x420] =	vst v59  }
0x16d: {  	v46 =	vadd.s32 $0x800, v46;
	[tilespmem:s31+$0x10] =	vst v48;
	v48 =	vor.u32 v18, v47;
	v59 =	vld.idx.msk [tilespmem:v61+s9+$0x0], $0xffff  }
0x16e: {  	[tilespmem:s3+$0x10] =	vst v60;
	v61 =	vor.u32 v27, v46;
	v57 =	vld.idx.msk [tilespmem:v63+s9+$0x0], $0xffff  }
0x16f: {  	v62 =	vld.idx.msk [tilespmem:v55+s9+$0x0], $0xffff;
	v55 =	vadd.s32 v35, v40;
	[tilespmem:s26+$0x60] =	vst v52  }
0x170: {  	v63 =	vor.u32 v12, v42;
	v50 =	vld.idx.msk [tilespmem:v54+s9+$0x0], $0xffff;
	[tilespmem:s28+$0x60] =	vst v51  }
0x171: {  	v60 =	vor.u32 v12, v43;
	v58 =	vld.idx.msk [tilespmem:v58+s9+$0x0], $0xffff;
	[tilespmem:s24+$0x420] =	vst v53  }
0x172: {  	v54 =	vld.idx.msk [tilespmem:v48+s9+$0x0], $0xffff;
	[tilespmem:s30+$0x430] =	vst v59;
	v59 =	vor.u32 v24, v45  }
0x173: {  	[tilespmem:s0+$0x470] =	vst v56;
	v52 =	vadd.s32 v31, v39;
	v56 =	vld.idx.msk [tilespmem:v61+s9+$0x0], $0xffff  }
0x174: {  	[tilespmem:s31+$0x20] =	vst v57;
	v53 =	vld.idx.msk [tilespmem:v55+s9+$0x0], $0xffff;
	v55 =	vor.u32 v19, v47  }
0x175: {  	s12 =	simm.s32 $0x9;
	s11 =	simm.s32 $0xA;
	s0 =	sshll.u32 s22, $0x1;
	v51 =	vor.u32 v22, v46;
	[tilespmem:s3+$0x20] =	vst v62;
	v57 =	vld.idx.msk [tilespmem:v63+s9+$0x0], $0xffff  }
.LBB2_3:
0x176: {  	p1 =	slt.u32 s11, $0x3E;
	v48 =	vmov s12;
	v60 =	vld.idx.msk [tilespmem:v60+s9+$0x0], $0xffff;
	v61 =	vadd.s32 v36, v40;
	[tilespmem:s29+$0x450] =	vst v49  }
0x177: {  	v62 =	vor.u32 v13, v42;
	v49 =	vshrl.u32 v48, $0x3;
	[tilespmem:s26+$0x70] =	vst v58;
	v58 =	vld.idx.msk [tilespmem:v59+s9+$0x0], $0xffff  }
0x178: {  	v48 =	vshll.u32 v48, $0x7;
	v59 =	vor.u32 v13, v43;
	v49 =	vmul.u32 $0xC00, v49;
	[tilespmem:s28+$0x70] =	vst v54;
	v52 =	vld.idx.msk [tilespmem:v52+s9+$0x0], $0xffff  }
0x179: {  	v48 =	vand.u32 $0x380, v48;
	v54 =	vld.idx.msk [tilespmem:v55+s9+$0x0], $0xffff;
	[tilespmem:s24+$0x430] =	vst v56;
	v55 =	vor.u32 v25, v45;
	v45 =	vmov v46  }
0x17a: {  	v46 =	vor.u32 v48, v49;
	v48 =	vadd.s32 v32, v39;
	v49 =	vld.idx.msk [tilespmem:v51+s9+$0x0], $0xffff;
	[tilespmem:s30+$0x440] =	vst v53  }
0x17b: {  	v51 =	vor.u32 v0, v46;
	[tilespmem:s31+$0x30] =	vst v57;
	v53 =	vld.idx.msk [tilespmem:v61+s9+$0x0], $0xffff  }
0x17c: {  	v47 =	vor.u32 v20, v47;
	[tilespmem:s3+$0x30] =	vst v60;
	v56 =	vld.idx.msk [tilespmem:v62+s9+$0x0], $0xffff  }
0x17d: {  	v57 =	vld.idx.msk [tilespmem:v59+s9+$0x0], $0xffff;
	v59 =	vadd.s32 v37, v40;
	[tilespmem:s29+$0x460] =	vst v58  }
0x17e: {  	v60 =	vadd.s32 v28, v42;
	v58 =	vadd.s32 v16, v43;
	[tilespmem:s26+$0x400] =	vst v52;
	v52 =	vld.idx.msk [tilespmem:v55+s9+$0x0], $0xffff  }
0x17f: {  	v55 =	vadd.s32 v15, v58;
	[tilespmem:s28+$0x400] =	vst v54;
	v48 =	vld.idx.msk [tilespmem:v48+s9+$0x0], $0xffff  }
0x180: {  	v51 =	vld.idx.msk [tilespmem:v51+s9+$0x0], $0xffff;
	[tilespmem:s24+$0x440] =	vst v49;
	v49 =	vor.u32 v23, v45  }
0x181: {  	v58 =	vadd.s32 v33, v39;
	v54 =	vld.idx.msk [tilespmem:v47+s9+$0x0], $0xffff;
	[tilespmem:s30+$0x450] =	vst v53  }
0x182: {  	s8 =	sadd.s32 $0x200, s8;
	v53 =	vor.u32 v10, v46;
	[tilespmem:s31+$0x40] =	vst v56;
	v56 =	vld.idx.msk [tilespmem:v59+s9+$0x0], $0xffff  }
0x183: {  	s10 =	sadd.s32 $0x100, s10;
	s12 =	sand.u32 $0x3800, s8;
	v59 =	vor.u32 v10, v44;
	[tilespmem:s3+$0x40] =	vst v57;
	v57 =	vld.idx.msk [tilespmem:v60+s9+$0x0], $0xffff  }
0x184: {  	s13 =	sadd.s32 $0xFFFFFF80, s10;
	s14 =	sand.u32 $0x380, s10;
	s12 =	sor.u32 $0xC100, s12;
	v60 =	vadd.s32 v38, v40;
	v40 =	vmovc v39;
	v39 =	vmov v42;
	v42 =	vmov v46;
	v55 =	vld.idx.msk [tilespmem:v55+s9+$0x0], $0xffff;
	[tilespmem:s29+$0x470] =	vst v52  }
0x185: {  	s13 =	sand.u32 $0x300, s13;
	s14 =	sadd.s32 s14, s12;
	v47 =	vadd.s32 $0x400, v43;
	v46 =	vadd.s32 v29, v39;
	s29 =	smov.u32 s24;
	[tilespmem:s26+$0x410] =	vst v48;
	v49 =	vld.idx.msk [tilespmem:v49+s9+$0x0], $0xffff  }
0x186: {  	v52 =	vadd.s32 v21, v41;
	s24 =	smov.u32 s28;
	s28 =	smov.u32 s3;
	s3 =	sadd.s32 s13, s12;
	v48 =	vmov s11;
	[tilespmem:s14+$0x0] =	vst v51;
	v51 =	vor.u32 v17, v47;
	v58 =	vld.idx.msk [tilespmem:v58+s9+$0x0], $0xffff  }
0x187: {  	v52 =	vadd.s32 v14, v52;
	v61 =	vshrl.u32 v48, $0x3;
	[tilespmem:s3+$0x0] =	vst v50;
	v50 =	vld.idx.msk [tilespmem:v53+s9+$0x0], $0xffff  }
0x188: {  	v48 =	vshll.u32 v48, $0x7;
	v53 =	vmul.u32 $0xC00, v61;
	v61 =	vadd.s32 v34, v40;
	v59 =	vld.idx.msk [tilespmem:v59+s9+$0x0], $0xffff;
	[tilespmem:s30+$0x460] =	vst v56  }
0x189: {  	v48 =	vand.u32 $0x300, v48;
	v56 =	vor.u32 v11, v42;
	[tilespmem:s31+$0x50] =	vst v57;
	v57 =	vld.idx.msk [tilespmem:v60+s9+$0x0], $0xffff  }
0x18a: {  	v48 =	vor.u32 v48, v53;
	v53 =	vor.u32 v11, v44;
	[tilespmem:s28+$0x50] =	vst v55;
	v55 =	vld.idx.msk [tilespmem:v46+s9+$0x0], $0xffff  }
0x18b: {  	v60 =	vor.u32 v0, v48;
	v51 =	vld.idx.msk [tilespmem:v51+s9+$0x0], $0xffff;
	[tilespmem:s24+$0x410] =	vst v54  }
0x18c: {  	v54 =	vadd.s32 v30, v39;
	v52 =	vld.idx.msk [tilespmem:v52+s9+$0x0], $0xffff;
	[tilespmem:s26+$0x420] =	vst v58  }
0x18d: {  	v62 =	vor.u32 v18, v47;
	v46 =	vadd.s32 $0x800, v41;
	v41 =	vmovc v43;
	v43 =	vmov v44;
	[tilespmem:s14+$0x10] =	vst v50;
	v61 =	vld.idx.msk [tilespmem:v61+s9+$0x0], $0xffff  }
0x18e: {  	v44 =	vmov v48;
	[tilespmem:s3+$0x10] =	vst v59;
	v63 =	vld.idx.msk [tilespmem:v56+s9+$0x0], $0xffff;
	v56 =	vor.u32 v27, v46  }
0x18f: {  	v48 =	vld.idx.msk [tilespmem:v53+s9+$0x0], $0xffff;
	v53 =	vadd.s32 v35, v40;
	[tilespmem:s30+$0x470] =	vst v57;
	s30 =	smov.u32 s26;
	s26 =	smov.u32 s31;
	s31 =	smov.u32 s14  }
0x190: {  	v57 =	vor.u32 v12, v42;
	v50 =	vld.idx.msk [tilespmem:v60+s9+$0x0], $0xffff;
	[tilespmem:s26+$0x60] =	vst v55  }
.Ltmp0:
0x191: {  	v60 =	vor.u32 v12, v43;
	[tilespmem:s28+$0x60] =	vst v51;
	v58 =	vld.idx.msk [tilespmem:v54+s9+$0x0], $0xffff;
	(pc) =	sbr.rel @p1 .LBB2_3-.Ltmp0, $4  }
0x192: {  	v59 =	vor.u32 v24, v45;
	v54 =	vld.idx.msk [tilespmem:v62+s9+$0x0], $0xffff;
	[tilespmem:s24+$0x420] =	vst v52  }
0x193: {  	v52 =	vadd.s32 v31, v39;
	v56 =	vld.idx.msk [tilespmem:v56+s9+$0x0], $0xffff;
	[tilespmem:s30+$0x430] =	vst v61  }
0x194: {  	v55 =	vor.u32 v19, v47;
	[tilespmem:s31+$0x20] =	vst v63;
	v53 =	vld.idx.msk [tilespmem:v53+s9+$0x0], $0xffff  }
0x195: {  	s12 =	sadd.s32 $0x1, s11;
	s11 =	sadd.s32 $0x2, s11;
	v51 =	vor.u32 v22, v46;
	[tilespmem:s3+$0x20] =	vst v48;
	v57 =	vld.idx.msk [tilespmem:v57+s9+$0x0], $0xffff  }
0x196: {  	v48 =	vmov s12  }
0x197: {  	v61 =	vshrl.u32 v48, $0x3  }
0x198: {  	v48 =	vshll.u32 v48, $0x7;
	v61 =	vmul.u32 $0xC00, v61  }
0x199: {  	v48 =	vand.u32 $0x380, v48  }
0x19a: {  	v48 =	vor.u32 v48, v61  }
0x19b: {  	v61 =	vor.u32 v0, v48;
	_ =	sdelay $0x4  }
0x19c: {  	v61 =	vld.idx.msk [tilespmem:v61+s9+$0x0], $0xffff  }
0x19d: {  	s8 =	sadd.s32 $0x200, s8;
	v62 =	vor.u32 v10, v48  }
0x19e: {  	v63 =	vor.u32 v10, v44;
	s10 =	sadd.s32 $0x100, s10;
	s8 =	sand.u32 $0x3800, s8  }
0x19f: {  	s11 =	sadd.s32 $0xFFFFFF80, s10;
	s10 =	sand.u32 $0x380, s10;
	s8 =	sor.u32 $0xC100, s8  }
0x1a0: {  	s11 =	sand.u32 $0x300, s11;
	s10 =	sadd.s32 s10, s8  }
0x1a1: {  	s8 =	sadd.s32 s11, s8;
	[tilespmem:s10+$0x0] =	vst v61  }
0x1a2: {  	[tilespmem:s8+$0x0] =	vst v50;
	v50 =	vld.idx.msk [tilespmem:v62+s9+$0x0], $0xffff  }
0x1a3: {  	v61 =	vld.idx.msk [tilespmem:v63+s9+$0x0], $0xffff;
	v62 =	vor.u32 v11, v48  }
0x1a4: {  	v63 =	vor.u32 v11, v44;
	_ =	sdelay $0x2  }
0x1a5: {  	[tilespmem:s10+$0x10] =	vst v50  }
0x1a6: {  	[tilespmem:s8+$0x10] =	vst v61;
	v50 =	vld.idx.msk [tilespmem:v62+s9+$0x0], $0xffff  }
0x1a7: {  	[tilespmem:s29+$0x450] =	vst v49;
	v61 =	vor.u32 v12, v48;
	v49 =	vld.idx.msk [tilespmem:v63+s9+$0x0], $0xffff  }
0x1a8: {  	[tilespmem:s26+$0x70] =	vst v58;
	v58 =	vor.u32 v12, v44  }
0x1a9: {  	[tilespmem:s28+$0x70] =	vst v54;
	v59 =	vld.idx.msk [tilespmem:v59+s9+$0x0], $0xffff  }
0x1aa: {  	v52 =	vld.idx.msk [tilespmem:v52+s9+$0x0], $0xffff;
	[tilespmem:s24+$0x430] =	vst v56  }
0x1ab: {  	v63 =	vor.u32 v13, v42;
	v62 =	vld.idx.msk [tilespmem:v60+s9+$0x0], $0xffff;
	[tilespmem:s10+$0x20] =	vst v50  }
0x1ac: {  	v60 =	vor.u32 v13, v43;
	[tilespmem:s8+$0x20] =	vst v49;
	v49 =	vld.idx.msk [tilespmem:v61+s9+$0x0], $0xffff  }
0x1ad: {  	[tilespmem:s30+$0x440] =	vst v53;
	v53 =	vld.idx.msk [tilespmem:v58+s9+$0x0], $0xffff;
	v58 =	vor.u32 v13, v48  }
0x1ae: {  	v55 =	vld.idx.msk [tilespmem:v55+s9+$0x0], $0xffff;
	[tilespmem:s31+$0x30] =	vst v57;
	v57 =	vor.u32 v13, v44  }
0x1af: {  	v54 =	vadd.s32 v36, v40;
	v51 =	vld.idx.msk [tilespmem:v51+s9+$0x0], $0xffff;
	[tilespmem:s29+$0x460] =	vst v59  }
0x1b0: {  	v45 =	vor.u32 v25, v45;
	v56 =	vld.idx.msk [tilespmem:v63+s9+$0x0], $0xffff;
	[tilespmem:s3+$0x30] =	vst v62  }
0x1b1: {  	v59 =	vadd.s32 v16, v43;
	v50 =	vld.idx.msk [tilespmem:v60+s9+$0x0], $0xffff;
	v60 =	vadd.s32 v28, v42;
	[tilespmem:s10+$0x30] =	vst v49  }
0x1b2: {  	[tilespmem:s8+$0x30] =	vst v53;
	v49 =	vadd.s32 v15, v59;
	v53 =	vld.idx.msk [tilespmem:v58+s9+$0x0], $0xffff  }
0x1b3: {  	[tilespmem:s26+$0x400] =	vst v52;
	v63 =	vadd.s32 v28, v48;
	v62 =	vadd.s32 v16, v44;
	v52 =	vld.idx.msk [tilespmem:v57+s9+$0x0], $0xffff  }
0x1b4: {  	v54 =	vld.idx.msk [tilespmem:v54+s9+$0x0], $0xffff;
	[tilespmem:s28+$0x400] =	vst v55;
	v61 =	vadd.s32 v15, v62  }
0x1b5: {  	v47 =	vor.u32 v20, v47;
	v45 =	vld.idx.msk [tilespmem:v45+s9+$0x0], $0xffff;
	[tilespmem:s31+$0x40] =	vst v56  }
0x1b6: {  	[tilespmem:s3+$0x40] =	vst v50;
	v50 =	vld.idx.msk [tilespmem:v60+s9+$0x0], $0xffff;
	v60 =	vadd.s32 v37, v40  }
0x1b7: {  	v57 =	vadd.s32 $0x400, v43;
	v59 =	vadd.s32 v29, v42;
	v49 =	vld.idx.msk [tilespmem:v49+s9+$0x0], $0xffff;
	[tilespmem:s10+$0x40] =	vst v53  }
0x1b8: {  	[tilespmem:s8+$0x40] =	vst v52;
	v53 =	vor.u32 v17, v57;
	v52 =	vld.idx.msk [tilespmem:v63+s9+$0x0], $0xffff  }
0x1b9: {  	v55 =	vadd.s32 $0x400, v44;
	[tilespmem:s24+$0x440] =	vst v51;
	v58 =	vadd.s32 v29, v48;
	v51 =	vld.idx.msk [tilespmem:v61+s9+$0x0], $0xffff  }
0x1ba: {  	v47 =	vld.idx.msk [tilespmem:v47+s9+$0x0], $0xffff;
	[tilespmem:s30+$0x450] =	vst v54;
	v54 =	vor.u32 v17, v55  }
0x1bb: {  	v56 =	vadd.s32 v32, v39;
	[tilespmem:s31+$0x50] =	vst v50;
	v63 =	vld.idx.msk [tilespmem:v60+s9+$0x0], $0xffff  }
0x1bc: {  	v40 =	vadd.s32 v38, v40;
	[tilespmem:s3+$0x50] =	vst v49;
	v49 =	vld.idx.msk [tilespmem:v59+s9+$0x0], $0xffff  }
0x1bd: {  	v50 =	vld.idx.msk [tilespmem:v53+s9+$0x0], $0xffff;
	v53 =	vadd.s32 v30, v42;
	[tilespmem:s10+$0x50] =	vst v52  }
0x1be: {  	[tilespmem:s8+$0x50] =	vst v51;
	v52 =	vor.u32 v18, v57;
	v51 =	vld.idx.msk [tilespmem:v58+s9+$0x0], $0xffff  }
0x1bf: {  	[tilespmem:s29+$0x470] =	vst v45;
	v62 =	vadd.s32 v30, v48;
	v45 =	vld.idx.msk [tilespmem:v54+s9+$0x0], $0xffff  }
0x1c0: {  	v56 =	vld.idx.msk [tilespmem:v56+s9+$0x0], $0xffff;
	v60 =	vor.u32 v18, v55;
	[tilespmem:s30+$0x460] =	vst v63  }
0x1c1: {  	v61 =	vadd.s32 v33, v39;
	v40 =	vld.idx.msk [tilespmem:v40+s9+$0x0], $0xffff;
	[tilespmem:s31+$0x60] =	vst v49  }
0x1c2: {  	[tilespmem:s3+$0x60] =	vst v50;
	v49 =	vld.idx.msk [tilespmem:v53+s9+$0x0], $0xffff  }
0x1c3: {  	v50 =	vld.idx.msk [tilespmem:v52+s9+$0x0], $0xffff;
	v52 =	vadd.s32 v31, v42;
	[tilespmem:s10+$0x60] =	vst v51  }
0x1c4: {  	[tilespmem:s8+$0x60] =	vst v45;
	v51 =	vor.u32 v19, v57;
	v62 =	vld.idx.msk [tilespmem:v62+s9+$0x0], $0xffff  }
0x1c5: {  	[tilespmem:s26+$0x410] =	vst v56;
	v54 =	vadd.s32 v31, v48;
	v53 =	vld.idx.msk [tilespmem:v60+s9+$0x0], $0xffff  }
0x1c6: {  	[tilespmem:s28+$0x410] =	vst v47;
	v63 =	vadd.s32 v21, v41;
	v60 =	vld.idx.msk [tilespmem:v61+s9+$0x0], $0xffff;
	v61 =	vor.u32 v19, v55  }
0x1c7: {  	v56 =	vadd.s32 v14, v63;
	[tilespmem:s31+$0x70] =	vst v49  }
0x1c8: {  	v49 =	vadd.s32 v34, v39;
	[tilespmem:s3+$0x70] =	vst v50;
	v50 =	vld.idx.msk [tilespmem:v52+s9+$0x0], $0xffff  }
0x1c9: {  	v52 =	vadd.s32 v32, v42;
	v51 =	vld.idx.msk [tilespmem:v51+s9+$0x0], $0xffff;
	[tilespmem:s10+$0x70] =	vst v62  }
0x1ca: {  	[tilespmem:s8+$0x70] =	vst v53;
	v62 =	vor.u32 v20, v57;
	v53 =	vld.idx.msk [tilespmem:v54+s9+$0x0], $0xffff  }
0x1cb: {  	v63 =	vadd.s32 v32, v48;
	[tilespmem:s30+$0x470] =	vst v40;
	v47 =	vld.idx.msk [tilespmem:v61+s9+$0x0], $0xffff  }
0x1cc: {  	v56 =	vld.idx.msk [tilespmem:v56+s9+$0x0], $0xffff;
	[tilespmem:s26+$0x420] =	vst v60;
	v60 =	vor.u32 v20, v55  }
0x1cd: {  	v41 =	vadd.s32 $0x800, v41;
	v61 =	vor.u32 v23, v46;
	v49 =	vld.idx.msk [tilespmem:v49+s9+$0x0], $0xffff;
	[tilespmem:s31+$0x400] =	vst v50  }
0x1ce: {  	v50 =	vor.u32 v27, v41;
	[tilespmem:s3+$0x400] =	vst v51;
	v51 =	vld.idx.msk [tilespmem:v52+s9+$0x0], $0xffff  }
0x1cf: {  	v52 =	vadd.s32 v33, v42;
	v45 =	vld.idx.msk [tilespmem:v62+s9+$0x0], $0xffff;
	v62 =	vadd.s32 v21, v43;
	[tilespmem:s10+$0x400] =	vst v53  }
0x1d0: {  	[tilespmem:s8+$0x400] =	vst v47;
	v53 =	vadd.s32 v14, v62;
	v47 =	vld.idx.msk [tilespmem:v63+s9+$0x0], $0xffff  }
0x1d1: {  	[tilespmem:s28+$0x420] =	vst v56;
	v54 =	vadd.s32 v33, v48;
	v40 =	vld.idx.msk [tilespmem:v60+s9+$0x0], $0xffff;
	v63 =	vadd.s32 v21, v44  }
0x1d2: {  	v55 =	vld.idx.msk [tilespmem:v61+s9+$0x0], $0xffff;
	[tilespmem:s26+$0x430] =	vst v49;
	v60 =	vadd.s32 v14, v63  }
0x1d3: {  	v61 =	vadd.s32 v35, v39;
	v50 =	vld.idx.msk [tilespmem:v50+s9+$0x0], $0xffff;
	[tilespmem:s31+$0x410] =	vst v51  }
0x1d4: {  	v62 =	vor.u32 v24, v46;
	v52 =	vld.idx.msk [tilespmem:v52+s9+$0x0], $0xffff;
	[tilespmem:s3+$0x410] =	vst v45  }
0x1d5: {  	v43 =	vadd.s32 $0x800, v43;
	v63 =	vadd.s32 v34, v42;
	v53 =	vld.idx.msk [tilespmem:v53+s9+$0x0], $0xffff;
	[tilespmem:s10+$0x410] =	vst v47  }
0x1d6: {  	[tilespmem:s8+$0x410] =	vst v40;
	v47 =	vor.u32 v27, v43;
	v54 =	vld.idx.msk [tilespmem:v54+s9+$0x0], $0xffff  }
0x1d7: {  	v44 =	vadd.s32 $0x800, v44;
	[tilespmem:s24+$0x450] =	vst v55;
	v40 =	vadd.s32 v34, v48;
	v49 =	vld.idx.msk [tilespmem:v60+s9+$0x0], $0xffff  }
0x1d8: {  	v55 =	vld.idx.msk [tilespmem:v61+s9+$0x0], $0xffff;
	[tilespmem:s28+$0x430] =	vst v50;
	v60 =	vor.u32 v27, v44  }
0x1d9: {  	v61 =	vor.u32 v22, v41;
	v51 =	vld.idx.msk [tilespmem:v62+s9+$0x0], $0xffff;
	[tilespmem:s31+$0x420] =	vst v52  }
0x1da: {  	v62 =	vadd.s32 v36, v39;
	v45 =	vld.idx.msk [tilespmem:v63+s9+$0x0], $0xffff;
	[tilespmem:s3+$0x420] =	vst v53  }
0x1db: {  	v63 =	vadd.s32 v35, v42;
	v47 =	vld.idx.msk [tilespmem:v47+s9+$0x0], $0xffff;
	[tilespmem:s10+$0x420] =	vst v54  }
0x1dc: {  	v57 =	vor.u32 v22, v43;
	[tilespmem:s8+$0x420] =	vst v49;
	v40 =	vld.idx.msk [tilespmem:v40+s9+$0x0], $0xffff  }
0x1dd: {  	v58 =	vadd.s32 v35, v48;
	[tilespmem:s26+$0x440] =	vst v55;
	v50 =	vld.idx.msk [tilespmem:v60+s9+$0x0], $0xffff  }
0x1de: {  	v59 =	vld.idx.msk [tilespmem:v61+s9+$0x0], $0xffff;
	[tilespmem:s24+$0x460] =	vst v51;
	v60 =	vor.u32 v22, v44  }
0x1df: {  	v52 =	vld.idx.msk [tilespmem:v62+s9+$0x0], $0xffff;
	v62 =	vor.u32 v23, v41;
	[tilespmem:s31+$0x430] =	vst v45  }
0x1e0: {  	v61 =	vor.u32 v25, v46;
	v53 =	vld.idx.msk [tilespmem:v63+s9+$0x0], $0xffff;
	[tilespmem:s3+$0x430] =	vst v47  }
0x1e1: {  	v63 =	vadd.s32 v36, v42;
	v54 =	vld.idx.msk [tilespmem:v57+s9+$0x0], $0xffff;
	[tilespmem:s10+$0x430] =	vst v40  }
0x1e2: {  	v57 =	vor.u32 v23, v43;
	[tilespmem:s8+$0x430] =	vst v50;
	v49 =	vld.idx.msk [tilespmem:v58+s9+$0x0], $0xffff  }
0x1e3: {  	[tilespmem:s28+$0x440] =	vst v59;
	v58 =	vadd.s32 v36, v48;
	v51 =	vld.idx.msk [tilespmem:v60+s9+$0x0], $0xffff  }
0x1e4: {  	v59 =	vor.u32 v23, v44;
	[tilespmem:s26+$0x450] =	vst v52;
	v45 =	vld.idx.msk [tilespmem:v62+s9+$0x0], $0xffff  }
0x1e5: {  	v46 =	vld.idx.msk [tilespmem:v61+s9+$0x0], $0xffff;
	v61 =	vor.u32 v24, v41;
	[tilespmem:s31+$0x440] =	vst v53  }
0x1e6: {  	v60 =	vadd.s32 v37, v39;
	v47 =	vld.idx.msk [tilespmem:v63+s9+$0x0], $0xffff;
	[tilespmem:s3+$0x440] =	vst v54  }
0x1e7: {  	v62 =	vadd.s32 v37, v42;
	v40 =	vld.idx.msk [tilespmem:v57+s9+$0x0], $0xffff;
	[tilespmem:s10+$0x440] =	vst v49  }
0x1e8: {  	v63 =	vor.u32 v24, v43;
	[tilespmem:s8+$0x440] =	vst v51;
	v50 =	vld.idx.msk [tilespmem:v58+s9+$0x0], $0xffff  }
0x1e9: {  	v56 =	vadd.s32 v37, v48;
	[tilespmem:s28+$0x450] =	vst v45;
	v51 =	vld.idx.msk [tilespmem:v59+s9+$0x0], $0xffff  }
0x1ea: {  	[tilespmem:s24+$0x470] =	vst v46;
	v53 =	vld.idx.msk [tilespmem:v61+s9+$0x0], $0xffff;
	v58 =	vor.u32 v24, v44  }
0x1eb: {  	v41 =	vor.u32 v25, v41;
	v57 =	vld.idx.msk [tilespmem:v60+s9+$0x0], $0xffff;
	[tilespmem:s31+$0x450] =	vst v47  }
0x1ec: {  	v59 =	vadd.s32 v38, v39;
	v47 =	vld.idx.msk [tilespmem:v62+s9+$0x0], $0xffff;
	[tilespmem:s3+$0x450] =	vst v40  }
0x1ed: {  	v60 =	vadd.s32 v38, v42;
	v61 =	vld.idx.msk [tilespmem:v63+s9+$0x0], $0xffff;
	[tilespmem:s10+$0x450] =	vst v50  }
0x1ee: {  	v43 =	vor.u32 v25, v43;
	[tilespmem:s8+$0x450] =	vst v51;
	v46 =	vld.idx.msk [tilespmem:v56+s9+$0x0], $0xffff  }
0x1ef: {  	v48 =	vadd.s32 v38, v48;
	[tilespmem:s28+$0x460] =	vst v53;
	v45 =	vld.idx.msk [tilespmem:v58+s9+$0x0], $0xffff  }
0x1f0: {  	v44 =	vor.u32 v25, v44;
	v41 =	vld.idx.msk [tilespmem:v41+s9+$0x0], $0xffff;
	[tilespmem:s26+$0x460] =	vst v57  }
0x1f1: {  	v39 =	vld.idx.msk [tilespmem:v59+s9+$0x0], $0xffff;
	[tilespmem:s31+$0x460] =	vst v47  }
0x1f2: {  	v40 =	vld.idx.msk [tilespmem:v60+s9+$0x0], $0xffff;
	[tilespmem:s3+$0x460] =	vst v61  }
0x1f3: {  	v42 =	vld.idx.msk [tilespmem:v43+s9+$0x0], $0xffff;
	[tilespmem:s10+$0x460] =	vst v46  }
0x1f4: {  	[tilespmem:s8+$0x460] =	vst v45;
	v62 =	vld.idx.msk [tilespmem:v48+s9+$0x0], $0xffff  }
0x1f5: {  	[tilespmem:s28+$0x470] =	vst v41;
	v63 =	vld.idx.msk [tilespmem:v44+s9+$0x0], $0xffff  }
0x1f6: {  	p1 =	sne.s32 s22, $0x2F;
	[tilespmem:s26+$0x470] =	vst v39  }
.Ltmp1:
0x1f7: {  	s30 =	sshll.u32 s22, $0xF;
	[tilespmem:s31+$0x470] =	vst v40;
	(pc) =	sbr.rel @p1 .LBB2_6-.Ltmp1, $4  }
0x1f8: {  	s31 =	sadd.s32 s7, s30;
	[tilespmem:s3+$0x470] =	vst v42  }
0x1f9: {  	s3 =	sshrl.u32 s31, $0x3;
	[tilespmem:s10+$0x470] =	vst v62  }
0x1fa: {  	s3 =	sadd.s32 s4, s3;
	[tilespmem:s8+$0x470] =	vst v63  }
0x1fb: {  	[hbm4b:s3+s5] =	stream.linear.scatter [tilespmem:s18], [sflag:$0x3], $0x4000, $0x38;
	[tilespmem:$0x14100] =	vst v63  }
.Ltmp2:
0x1fc: {  	(pc) =	sbr.rel .LBB2_7-.Ltmp2, $4  }
0x1fd: {  	_ = 	snop  }
0x1fe: {  	_ =	swait.ge [sflag:s19], $0x6000  }
0x1ff: {  	[sflag:s19] =	ssyncset.done $0x0  }
0x200: {  	[sflag:s19] =	ssyncadd.s32 $0xFFFFA000  }
.LBB2_6:
0x201: {  	s0 =	sadd.s32 $0x2, s0  }
0x202: {  	s3 =	sshrl.u32 s0, $0x2  }
0x203: {  	s0 =	sand.u32 $0x2, s0;
	s3 =	smul.u32 $0x180, s3  }
0x204: {  	s0 =	smul.u32 $0x60, s0  }
0x205: {  	s3 =	sadd.s32 s1, s3  }
0x206: {  	s0 =	sadd.s32 s0, s3  }
0x207: {  	v39 =	vor.u32 s0, v0  }
0x208: {  	v40 =	vshrl.u32 v39, $0x3  }
0x209: {  	v40 =	vmul.u32 $0x18, v40;
	_ =	sdelay $0x1  }
0x20a: {  	v40 =	vor.u32 v2, v40  }
0x20b: {  	v41 =	vperm.xlane v40, v6;
	_ =	sdelay $0x1  }
0x20c: {  	s3 =	sor.u32 $0x18, s0;
	v41 =	vadd.s32 v7, v41  }
0x20d: {  	s29 =	sor.u32 $0x30, s0;
	[tilespmem:$0x0] =	vst v39;
	v57 =	vadd.s32 s3, v0  }
0x20e: {  	s0 =	sadd.s32 $0x48, s0;
	v58 =	vadd.s32 s29, v0;
	[tilespmem:$0x10] =	vst v57;
	v40 =	vperm.xlane v40, v9  }
0x20f: {  	v59 =	vadd.s32 s0, v0;
	[tilespmem:$0x20] =	vst v58  }
0x210: {  	[tilespmem:$0x30] =	vst v59;
	v60 =	vadd.s32 v7, v40  }
0x211: {  	[tilespmem:s9], [sflag:$0x1] =	stream.indirect_vreg.gather [hbm4b:s2+s5], $0x80, v41, vm0, $0xb8;
	[tilespmem:$0x14100] =	vst v63  }
0x212: {  	s30 =	simm.s32 $0x900  }
0x213: {  	[tilespmem:s30], [sflag:$0x1] =	stream.indirect_vreg.gather [hbm4b:s6+s5], $0x80, v41, vm1, $0xb8;
	[tilespmem:$0x14100] =	vst v63  }
0x214: {  	s31 =	simm.s32 $0xD00  }
0x215: {  	[tilespmem:s31], [sflag:$0x1] =	stream.indirect_vreg.gather [hbm4b:s2+s5], $0x80, v60, vm0, $0xb8;
	[tilespmem:$0x14100] =	vst v63  }
0x216: {  	s3 =	simm.s32 $0x1500  }
0x217: {  	[tilespmem:s3], [sflag:$0x1] =	stream.indirect_vreg.gather [hbm4b:s6+s5], $0x80, v60, vm1, $0xb8;
	[tilespmem:$0x14100] =	vst v63  }
0x218: {  	v39 =	vld [tilespmem:$0x10];
	_ =	sdelay $0x4  }
0x219: {  	v61 =	vshrl.u32 v39, $0x3  }
0x21a: {  	v40 =	vmul.u32 $0x18, v61  }
0x21b: {  	v39 =	vand.u32 $0x7, v39  }
0x21c: {  	v39 =	vor.u32 v39, v40  }
0x21d: {  	v40 =	vperm.xlane v39, v6;
	_ =	sdelay $0x1  }
0x21e: {  	v40 =	vadd.s32 v7, v40;
	_ =	sdelay $0x1  }
0x21f: {  	v39 =	vperm.xlane v39, v9;
	_ =	sdelay $0x1  }
0x220: {  	s8 =	simm.s32 $0x1900;
	v39 =	vadd.s32 v7, v39  }
0x221: {  	[tilespmem:s8], [sflag:$0x1] =	stream.indirect_vreg.gather [hbm4b:s2+s5], $0x80, v40, vm0, $0xb8;
	[tilespmem:$0x14100] =	vst v63  }
0x222: {  	s10 =	simm.s32 $0x2100  }
0x223: {  	[tilespmem:s10], [sflag:$0x1] =	stream.indirect_vreg.gather [hbm4b:s6+s5], $0x80, v40, vm1, $0xb8;
	[tilespmem:$0x14100] =	vst v63  }
0x224: {  	s11 =	simm.s32 $0x2500  }
0x225: {  	[tilespmem:s11], [sflag:$0x1] =	stream.indirect_vreg.gather [hbm4b:s2+s5], $0x80, v39, vm0, $0xb8;
	[tilespmem:$0x14100] =	vst v63  }
0x226: {  	s12 =	simm.s32 $0x2D00  }
0x227: {  	[tilespmem:s12], [sflag:$0x1] =	stream.indirect_vreg.gather [hbm4b:s6+s5], $0x80, v39, vm1, $0xb8;
	[tilespmem:$0x14100] =	vst v63  }
0x228: {  	v39 =	vld [tilespmem:$0x20];
	_ =	sdelay $0x4  }
0x229: {  	v62 =	vshrl.u32 v39, $0x3  }
0x22a: {  	v40 =	vmul.u32 $0x18, v62  }
0x22b: {  	v39 =	vand.u32 $0x7, v39  }
0x22c: {  	v39 =	vor.u32 v39, v40  }
0x22d: {  	v40 =	vperm.xlane v39, v6;
	_ =	sdelay $0x1  }
0x22e: {  	v40 =	vadd.s32 v7, v40;
	_ =	sdelay $0x1  }
0x22f: {  	v39 =	vperm.xlane v39, v9;
	_ =	sdelay $0x1  }
0x230: {  	s13 =	simm.s32 $0x3100;
	v39 =	vadd.s32 v7, v39  }
0x231: {  	[tilespmem:s13], [sflag:$0x1] =	stream.indirect_vreg.gather [hbm4b:s2+s5], $0x80, v40, vm0, $0xb8;
	[tilespmem:$0x14100] =	vst v63  }
0x232: {  	s14 =	simm.s32 $0x3900  }
0x233: {  	[tilespmem:s14], [sflag:$0x1] =	stream.indirect_vreg.gather [hbm4b:s6+s5], $0x80, v40, vm1, $0xb8;
	[tilespmem:$0x14100] =	vst v63  }
0x234: {  	s24 =	simm.s32 $0x3D00  }
0x235: {  	[tilespmem:s24], [sflag:$0x1] =	stream.indirect_vreg.gather [hbm4b:s2+s5], $0x80, v39, vm0, $0xb8;
	[tilespmem:$0x14100] =	vst v63  }
0x236: {  	s26 =	simm.s32 $0x4500  }
0x237: {  	[tilespmem:s26], [sflag:$0x1] =	stream.indirect_vreg.gather [hbm4b:s6+s5], $0x80, v39, vm1, $0xb8;
	[tilespmem:$0x14100] =	vst v63  }
0x238: {  	v39 =	vld [tilespmem:$0x30];
	_ =	sdelay $0x4  }
0x239: {  	v63 =	vshrl.u32 v39, $0x3  }
0x23a: {  	v40 =	vmul.u32 $0x18, v63  }
0x23b: {  	v39 =	vand.u32 $0x7, v39  }
0x23c: {  	v39 =	vor.u32 v39, v40  }
0x23d: {  	v40 =	vperm.xlane v39, v6;
	_ =	sdelay $0x1  }
0x23e: {  	v40 =	vadd.s32 v7, v40;
	_ =	sdelay $0x1  }
0x23f: {  	v39 =	vperm.xlane v39, v9;
	_ =	sdelay $0x1  }
0x240: {  	s28 =	simm.s32 $0x4900;
	v39 =	vadd.s32 v7, v39  }
0x241: {  	[tilespmem:s28], [sflag:$0x1] =	stream.indirect_vreg.gather [hbm4b:s2+s5], $0x80, v40, vm0, $0xb8;
	[tilespmem:$0x14100] =	vst v63  }
0x242: {  	s29 =	simm.s32 $0x5100  }
0x243: {  	[tilespmem:s29], [sflag:$0x1] =	stream.indirect_vreg.gather [hbm4b:s6+s5], $0x80, v40, vm1, $0xb8;
	[tilespmem:$0x14100] =	vst v63  }
0x244: {  	s30 =	simm.s32 $0x5500  }
0x245: {  	[tilespmem:s30], [sflag:$0x1] =	stream.indirect_vreg.gather [hbm4b:s2+s5], $0x80, v39, vm0, $0xb8;
	[tilespmem:$0x14100] =	vst v63  }
.Ltmp3:
0x246: {  	s31 =	simm.s32 $0x5D00;
	(pc) =	sbr.rel @p0 .LBB2_8-.Ltmp3, $4  }
0x247: {  	[tilespmem:s31], [sflag:$0x1] =	stream.indirect_vreg.gather [hbm4b:s6+s5], $0x80, v39, vm1, $0xb8;
	[tilespmem:$0x14100] =	vst v63  }
0x248: {  	_ =	swait.ge [sflag:s19], $0x6000  }
0x249: {  	[sflag:s19] =	ssyncset.done $0x0  }
0x24a: {  	[sflag:s19] =	ssyncadd.s32 $0xFFFFA000  }
.LBB2_7:
0x24b: {  	_ =	swait.ge [sflag:s20], $0x4000  }
0x24c: {  	[sflag:s20] =	ssyncset.done $0x0  }
0x24d: {  	[sflag:s20] =	ssyncadd.s32 $0xFFFFC000  }
.LBB2_8:
0x24e: {  	s0 =	simm.s32 $0x1  }
0x24f: {  	v39 =	vmov s0  }
0x250: {  	v40 =	vshrl.u32 v39, $0x3  }
0x251: {  	s10 =	simm.s32 $0x0;
	v39 =	vshll.u32 v39, $0x7;
	v40 =	vmul.u32 $0xC00, v40  }
0x252: {  	v54 =	vmov s10;
	v39 =	vand.u32 $0x380, v39  }
0x253: {  	v41 =	vshrl.u32 v54, $0x3;
	v44 =	vor.u32 v39, v40  }
0x254: {  	v41 =	vmul.u32 $0xC00, v41;
	v39 =	vshll.u32 v54, $0x7;
	v40 =	vor.u32 v0, v44  }
0x255: {  	v39 =	vand.u32 $0x300, v39  }
0x256: {  	v42 =	vor.u32 v39, v41  }
0x257: {  	v39 =	vor.u32 v0, v42;
	_ =	sdelay $0x1  }
0x258: {  	v40 =	vld.idx.msk [tilespmem:v40+s25+$0x0], $0xffff  }
0x259: {  	v55 =	vor.u32 v10, v44  }
0x25a: {  	s3 =	simm.s32 $0x80;
	s0 =	sand.u32 $0x3800, s10  }
0x25b: {  	s11 =	sand.u32 $0x380, s3;
	s8 =	sor.u32 $0x10100, s0;
	v39 =	vld.idx.msk [tilespmem:v39+s25+$0x0], $0xffff  }
0x25c: {  	s0 =	sadd.s32 s11, s8;
	v56 =	vor.u32 v10, v42  }
0x25d: {  	s12 =	simm.s32 $0x0;
	[tilespmem:s0+$0x0] =	vst v40  }
0x25e: {  	s3 =	sand.u32 $0x300, s12;
	v41 =	vld.idx.msk [tilespmem:v55+s25+$0x0], $0xffff  }
0x25f: {  	s29 =	sadd.s32 s3, s8;
	v43 =	vor.u32 v11, v44  }
0x260: {  	[tilespmem:s29+$0x0] =	vst v39  }
0x261: {  	v39 =	vld.idx.msk [tilespmem:v56+s25+$0x0], $0xffff  }
0x262: {  	v57 =	vor.u32 v11, v42  }
0x263: {  	[tilespmem:s0+$0x10] =	vst v41  }
0x264: {  	v41 =	vld.idx.msk [tilespmem:v43+s25+$0x0], $0xffff  }
0x265: {  	v58 =	vor.u32 v12, v44  }
0x266: {  	s14 =	simm.s32 $0x3;
	[tilespmem:s29+$0x10] =	vst v39  }
0x267: {  	s13 =	simm.s32 $0x2;
	v60 =	vmov s14;
	v45 =	vld.idx.msk [tilespmem:v57+s25+$0x0], $0xffff  }
0x268: {  	v59 =	vmov s13;
	v46 =	vshrl.u32 v60, $0x3;
	v47 =	vor.u32 v12, v42  }
0x269: {  	v61 =	vshrl.u32 v59, $0x3;
	v46 =	vmul.u32 $0xC00, v46;
	v40 =	vshll.u32 v60, $0x7;
	[tilespmem:s0+$0x20] =	vst v41  }
0x26a: {  	v40 =	vand.u32 $0x380, v40;
	v39 =	vshll.u32 v59, $0x7;
	v41 =	vmul.u32 $0xC00, v61;
	v43 =	vld.idx.msk [tilespmem:v58+s25+$0x0], $0xffff  }
0x26b: {  	v48 =	vor.u32 v13, v44;
	v40 =	vor.u32 v40, v46;
	v39 =	vand.u32 $0x300, v39  }
0x26c: {  	v62 =	vor.u32 v0, v40;
	v46 =	vor.u32 v39, v41;
	[tilespmem:s29+$0x20] =	vst v45  }
0x26d: {  	v41 =	vor.u32 v0, v46;
	v45 =	vld.idx.msk [tilespmem:v47+s25+$0x0], $0xffff  }
0x26e: {  	v63 =	vor.u32 v13, v42  }
0x26f: {  	[tilespmem:s0+$0x30] =	vst v43  }
0x270: {  	v52 =	vld.idx.msk [tilespmem:v48+s25+$0x0], $0xffff  }
0x271: {  	v53 =	vadd.s32 v28, v44;
	v39 =	vld.idx.msk [tilespmem:v62+s25+$0x0], $0xffff  }
0x272: {  	s24 =	simm.s32 $0x200;
	v54 =	vor.u32 v10, v40;
	v41 =	vld.idx.msk [tilespmem:v41+s25+$0x0], $0xffff;
	[tilespmem:s29+$0x30] =	vst v45  }
0x273: {  	s26 =	simm.s32 $0x180;
	s3 =	sand.u32 $0x3800, s24;
	v49 =	vadd.s32 v16, v42;
	v55 =	vor.u32 v10, v46;
	v43 =	vld.idx.msk [tilespmem:v63+s25+$0x0], $0xffff  }
0x274: {  	s10 =	simm.s32 $0x100;
	s8 =	sand.u32 $0x380, s26;
	s3 =	sor.u32 $0x10100, s3;
	v49 =	vadd.s32 v15, v49  }
0x275: {  	s10 =	sand.u32 $0x300, s10;
	s30 =	sadd.s32 s8, s3;
	[tilespmem:s0+$0x40] =	vst v52  }
0x276: {  	s24 =	sadd.s32 s10, s3;
	[tilespmem:s30+$0x0] =	vst v39;
	v48 =	vld.idx.msk [tilespmem:v53+s25+$0x0], $0xffff  }
0x277: {  	v50 =	vadd.s32 v29, v44;
	v39 =	vld.idx.msk [tilespmem:v54+s25+$0x0], $0xffff;
	[tilespmem:s24+$0x0] =	vst v41  }
0x278: {  	v56 =	vor.u32 v11, v40;
	[tilespmem:s29+$0x40] =	vst v43;
	v41 =	vld.idx.msk [tilespmem:v55+s25+$0x0], $0xffff  }
0x279: {  	v47 =	vadd.s32 $0x400, v42;
	v58 =	vor.u32 v11, v46;
	v57 =	vld.idx.msk [tilespmem:v49+s25+$0x0], $0xffff  }
0x27a: {  	v59 =	vor.u32 v17, v47  }
0x27b: {  	[tilespmem:s0+$0x50] =	vst v48  }
0x27c: {  	[tilespmem:s30+$0x10] =	vst v39;
	v50 =	vld.idx.msk [tilespmem:v50+s25+$0x0], $0xffff  }
0x27d: {  	v51 =	vadd.s32 v30, v44;
	v39 =	vld.idx.msk [tilespmem:v56+s25+$0x0], $0xffff;
	[tilespmem:s24+$0x10] =	vst v41  }
0x27e: {  	v60 =	vor.u32 v12, v40;
	[tilespmem:s29+$0x50] =	vst v57;
	v41 =	vld.idx.msk [tilespmem:v58+s25+$0x0], $0xffff  }
0x27f: {  	v61 =	vor.u32 v12, v46;
	v45 =	vld.idx.msk [tilespmem:v59+s25+$0x0], $0xffff  }
0x280: {  	v62 =	vor.u32 v18, v47  }
0x281: {  	s12 =	simm.s32 $0x5;
	s11 =	simm.s32 $0x4;
	[tilespmem:s0+$0x60] =	vst v50  }
0x282: {  	v63 =	vadd.s32 v31, v44;
	v52 =	vmov s11;
	[tilespmem:s30+$0x20] =	vst v39;
	v57 =	vmov s12;
	v50 =	vld.idx.msk [tilespmem:v51+s25+$0x0], $0xffff  }
0x283: {  	v56 =	vshrl.u32 v52, $0x3;
	v52 =	vshll.u32 v52, $0x7;
	v43 =	vld.idx.msk [tilespmem:v60+s25+$0x0], $0xffff;
	v59 =	vshrl.u32 v57, $0x3;
	[tilespmem:s24+$0x20] =	vst v41  }
0x284: {  	v60 =	vor.u32 v13, v40;
	v39 =	vmul.u32 $0xC00, v59;
	v41 =	vshll.u32 v57, $0x7;
	[tilespmem:s29+$0x60] =	vst v45;
	v58 =	vld.idx.msk [tilespmem:v61+s25+$0x0], $0xffff  }
0x285: {  	v53 =	vmul.u32 $0xC00, v56;
	v61 =	vor.u32 v13, v46;
	v41 =	vand.u32 $0x380, v41;
	v49 =	vld.idx.msk [tilespmem:v62+s25+$0x0], $0xffff  }
0x286: {  	v54 =	vor.u32 v19, v47;
	v52 =	vand.u32 $0x300, v52;
	v39 =	vor.u32 v41, v39  }
0x287: {  	v41 =	vor.u32 v52, v53;
	v62 =	vor.u32 v0, v39;
	[tilespmem:s0+$0x70] =	vst v50  }
0x288: {  	[tilespmem:s30+$0x30] =	vst v43;
	v51 =	vld.idx.msk [tilespmem:v63+s25+$0x0], $0xffff;
	v63 =	vor.u32 v0, v41  }
0x289: {  	v55 =	vadd.s32 v32, v44;
	v57 =	vld.idx.msk [tilespmem:v60+s25+$0x0], $0xffff;
	[tilespmem:s24+$0x30] =	vst v58  }
0x28a: {  	[tilespmem:s29+$0x70] =	vst v49;
	v58 =	vld.idx.msk [tilespmem:v61+s25+$0x0], $0xffff  }
0x28b: {  	v59 =	vadd.s32 v16, v46;
	v60 =	vadd.s32 v28, v40;
	v61 =	vld.idx.msk [tilespmem:v54+s25+$0x0], $0xffff  }
0x28c: {  	v49 =	vadd.s32 v15, v59;
	v52 =	vld.idx.msk [tilespmem:v62+s25+$0x0], $0xffff  }
0x28d: {  	v47 =	vor.u32 v20, v47;
	[tilespmem:s0+$0x400] =	vst v51;
	v43 =	vld.idx.msk [tilespmem:v63+s25+$0x0], $0xffff  }
0x28e: {  	s13 =	simm.s32 $0x400;
	v63 =	vor.u32 v10, v39;
	v51 =	vld.idx.msk [tilespmem:v55+s25+$0x0], $0xffff  }
0x28f: {  	s26 =	simm.s32 $0x280;
	s3 =	sand.u32 $0x3800, s13;
	[tilespmem:s30+$0x40] =	vst v57;
	v62 =	vadd.s32 v33, v44  }
0x290: {  	s10 =	sand.u32 $0x380, s26;
	s3 =	sor.u32 $0x10100, s3;
	v45 =	vor.u32 v10, v41;
	v48 =	vld.idx.msk [tilespmem:v60+s25+$0x0], $0xffff;
	[tilespmem:s24+$0x40] =	vst v58  }
0x291: {  	s26 =	sadd.s32 s10, s3;
	s11 =	simm.s32 $0x200;
	v53 =	vadd.s32 v29, v40;
	v50 =	vadd.s32 $0x400, v46;
	[tilespmem:s29+$0x400] =	vst v61;
	v49 =	vld.idx.msk [tilespmem:v49+s25+$0x0], $0xffff  }
0x292: {  	s14 =	simm.s32 $0x6;
	s11 =	sand.u32 $0x300, s11;
	v56 =	vor.u32 v17, v50;
	v57 =	vadd.s32 v21, v42;
	[tilespmem:s26+$0x0] =	vst v52;
	v47 =	vld.idx.msk [tilespmem:v47+s25+$0x0], $0xffff  }
0x293: {  	s28 =	sadd.s32 s11, s3;
	v60 =	vmov s14;
	v57 =	vadd.s32 v14, v57;
	v55 =	vld.idx.msk [tilespmem:v63+s25+$0x0], $0xffff;
	[tilespmem:s0+$0x410] =	vst v51  }
0x294: {  	v61 =	vshrl.u32 v60, $0x3;
	[tilespmem:s28+$0x0] =	vst v43;
	v51 =	vshll.u32 v60, $0x7;
	v60 =	vor.u32 v11, v39;
	v52 =	vld.idx.msk [tilespmem:v62+s25+$0x0], $0xffff  }
0x295: {  	[tilespmem:s30+$0x50] =	vst v48;
	v63 =	vadd.s32 v34, v44;
	v58 =	vld.idx.msk [tilespmem:v45+s25+$0x0], $0xffff;
	v62 =	vmul.u32 $0xC00, v61  }
0x296: {  	v59 =	vand.u32 $0x300, v51;
	v61 =	vor.u32 v11, v41;
	[tilespmem:s24+$0x50] =	vst v49;
	v49 =	vld.idx.msk [tilespmem:v53+s25+$0x0], $0xffff  }
0x297: {  	v56 =	vld.idx.msk [tilespmem:v56+s25+$0x0], $0xffff;
	[tilespmem:s29+$0x410] =	vst v47;
	v47 =	vadd.s32 v30, v40;
	v43 =	vor.u32 v59, v62  }
0x298: {  	v57 =	vld.idx.msk [tilespmem:v57+s25+$0x0], $0xffff;
	v62 =	vor.u32 v0, v43;
	[tilespmem:s26+$0x10] =	vst v55  }
0x299: {  	v45 =	vadd.s32 $0x800, v42;
	v51 =	vld.idx.msk [tilespmem:v60+s25+$0x0], $0xffff;
	[tilespmem:s0+$0x420] =	vst v52;
	v52 =	vor.u32 v18, v50  }
0x29a: {  	[tilespmem:s28+$0x10] =	vst v58;
	v42 =	vld.idx.msk [tilespmem:v63+s25+$0x0], $0xffff;
	v63 =	vor.u32 v27, v45  }
0x29b: {  	v60 =	vadd.s32 v35, v44;
	v48 =	vld.idx.msk [tilespmem:v61+s25+$0x0], $0xffff;
	[tilespmem:s30+$0x60] =	vst v49  }
0x29c: {  	v61 =	vor.u32 v12, v39;
	v47 =	vld.idx.msk [tilespmem:v47+s25+$0x0], $0xffff  }
0x29d: {  	[tilespmem:s24+$0x60] =	vst v56;
	v53 =	vld.idx.msk [tilespmem:v62+s25+$0x0], $0xffff;
	v62 =	vor.u32 v12, v41  }
0x29e: {  	v56 =	vadd.s32 v31, v40;
	[tilespmem:s29+$0x420] =	vst v57;
	v52 =	vld.idx.msk [tilespmem:v52+s25+$0x0], $0xffff  }
0x29f: {  	s12 =	simm.s32 $0x7;
	v54 =	vld.idx.msk [tilespmem:v63+s25+$0x0], $0xffff;
	[tilespmem:s0+$0x430] =	vst v42;
	v42 =	vor.u32 v19, v50  }
0x2a0: {  	v55 =	vor.u32 v22, v45;
	v57 =	vmov s12;
	[tilespmem:s26+$0x20] =	vst v51;
	v51 =	vld.idx.msk [tilespmem:v60+s25+$0x0], $0xffff  }
0x2a1: {  	v58 =	vadd.s32 v36, v44;
	v59 =	vshrl.u32 v57, $0x3;
	[tilespmem:s28+$0x20] =	vst v48;
	v48 =	vld.idx.msk [tilespmem:v61+s25+$0x0], $0xffff  }
0x2a2: {  	v57 =	vshll.u32 v57, $0x7;
	[tilespmem:s30+$0x70] =	vst v47;
	v63 =	vmul.u32 $0xC00, v59;
	v60 =	vor.u32 v13, v39;
	v49 =	vld.idx.msk [tilespmem:v62+s25+$0x0], $0xffff  }
0x2a3: {  	v61 =	vand.u32 $0x380, v57;
	v59 =	vor.u32 v13, v41;
	[tilespmem:s24+$0x70] =	vst v52;
	v52 =	vld.idx.msk [tilespmem:v56+s25+$0x0], $0xffff  }
0x2a4: {  	v62 =	vadd.s32 v32, v40;
	v57 =	vld.idx.msk [tilespmem:v42+s25+$0x0], $0xffff;
	[tilespmem:s29+$0x430] =	vst v54;
	v42 =	vor.u32 v61, v63  }
0x2a5: {  	s8 =	simm.s32 $0x600;
	v54 =	vld.idx.msk [tilespmem:v55+s25+$0x0], $0xffff;
	[tilespmem:s0+$0x440] =	vst v51;
	v63 =	vor.u32 v0, v42  }
0x2a6: {  	s13 =	sand.u32 $0x3800, s8;
	s10 =	simm.s32 $0x380;
	s14 =	simm.s32 $0x300;
	v50 =	vor.u32 v20, v50;
	[tilespmem:s26+$0x30] =	vst v48;
	v48 =	vld.idx.msk [tilespmem:v58+s25+$0x0], $0xffff  }
0x2a7: {  	s3 =	sor.u32 $0x10100, s13;
	s11 =	sand.u32 $0x300, s14;
	s12 =	sand.u32 $0x380, s10;
	v55 =	vadd.s32 v37, v44;
	[tilespmem:s28+$0x30] =	vst v49;
	v49 =	vld.idx.msk [tilespmem:v60+s25+$0x0], $0xffff  }
0x2a8: {  	s31 =	sadd.s32 s12, s3;
	s3 =	sadd.s32 s11, s3;
	v61 =	vadd.s32 v16, v41;
	v56 =	vld.idx.msk [tilespmem:v59+s25+$0x0], $0xffff;
	v59 =	vadd.s32 v28, v39;
	[tilespmem:s30+$0x400] =	vst v52  }
0x2a9: {  	[tilespmem:s3+$0x0] =	vst v53;
	v52 =	vadd.s32 v15, v61;
	v58 =	vld.idx.msk [tilespmem:v62+s25+$0x0], $0xffff  }
0x2aa: {  	[tilespmem:s24+$0x400] =	vst v57;
	v57 =	vor.u32 v23, v45;
	v51 =	vld.idx.msk [tilespmem:v63+s25+$0x0], $0xffff  }
0x2ab: {  	v60 =	vadd.s32 v33, v40;
	v50 =	vld.idx.msk [tilespmem:v50+s25+$0x0], $0xffff;
	[tilespmem:s0+$0x450] =	vst v48  }
0x2ac: {  	v48 =	vor.u32 v10, v42;
	[tilespmem:s26+$0x40] =	vst v49;
	v55 =	vld.idx.msk [tilespmem:v55+s25+$0x0], $0xffff  }
0x2ad: {  	v61 =	vor.u32 v10, v43;
	[tilespmem:s28+$0x40] =	vst v56;
	v56 =	vld.idx.msk [tilespmem:v59+s25+$0x0], $0xffff  }
0x2ae: {  	v44 =	vadd.s32 v38, v44;
	[tilespmem:s29+$0x440] =	vst v54;
	v52 =	vld.idx.msk [tilespmem:v52+s25+$0x0], $0xffff  }
0x2af: {  	s13 =	simm.s32 $0x8;
	v47 =	vadd.s32 $0x400, v41;
	v54 =	vadd.s32 v29, v39;
	[tilespmem:s30+$0x410] =	vst v58;
	v49 =	vld.idx.msk [tilespmem:v57+s25+$0x0], $0xffff  }
0x2b0: {  	v57 =	vmov s13;
	v58 =	vadd.s32 v21, v46;
	[tilespmem:s31+$0x0] =	vst v51;
	v51 =	vor.u32 v17, v47;
	v59 =	vld.idx.msk [tilespmem:v60+s25+$0x0], $0xffff  }
0x2b1: {  	v60 =	vshrl.u32 v57, $0x3;
	v53 =	vadd.s32 v14, v58;
	[tilespmem:s24+$0x410] =	vst v50;
	v48 =	vld.idx.msk [tilespmem:v48+s25+$0x0], $0xffff  }
0x2b2: {  	v57 =	vshll.u32 v57, $0x7;
	v58 =	vmul.u32 $0xC00, v60;
	v60 =	vld.idx.msk [tilespmem:v61+s25+$0x0], $0xffff;
	v61 =	vadd.s32 v34, v40;
	[tilespmem:s0+$0x460] =	vst v55  }
0x2b3: {  	v63 =	vor.u32 v11, v42;
	v62 =	vand.u32 $0x300, v57;
	[tilespmem:s26+$0x50] =	vst v56;
	v56 =	vld.idx.msk [tilespmem:v44+s25+$0x0], $0xffff  }
0x2b4: {  	v55 =	vor.u32 v11, v43;
	v44 =	vor.u32 v62, v58;
	[tilespmem:s28+$0x50] =	vst v52;
	v52 =	vld.idx.msk [tilespmem:v54+s25+$0x0], $0xffff  }
0x2b5: {  	v54 =	vor.u32 v0, v44;
	v51 =	vld.idx.msk [tilespmem:v51+s25+$0x0], $0xffff;
	[tilespmem:s30+$0x420] =	vst v59  }
0x2b6: {  	v58 =	vadd.s32 v30, v39;
	v53 =	vld.idx.msk [tilespmem:v53+s25+$0x0], $0xffff;
	[tilespmem:s31+$0x10] =	vst v48  }
0x2b7: {  	v46 =	vadd.s32 $0x800, v46;
	v48 =	vor.u32 v18, v47;
	v59 =	vld.idx.msk [tilespmem:v61+s25+$0x0], $0xffff;
	[tilespmem:s3+$0x10] =	vst v60  }
0x2b8: {  	v57 =	vor.u32 v27, v46;
	v61 =	vld.idx.msk [tilespmem:v63+s25+$0x0], $0xffff;
	[tilespmem:s0+$0x470] =	vst v56  }
0x2b9: {  	v62 =	vld.idx.msk [tilespmem:v55+s25+$0x0], $0xffff;
	v63 =	vadd.s32 v35, v40;
	[tilespmem:s26+$0x60] =	vst v52  }
0x2ba: {  	v56 =	vor.u32 v12, v42;
	v50 =	vld.idx.msk [tilespmem:v54+s25+$0x0], $0xffff;
	[tilespmem:s28+$0x60] =	vst v51  }
0x2bb: {  	v60 =	vor.u32 v12, v43;
	v58 =	vld.idx.msk [tilespmem:v58+s25+$0x0], $0xffff;
	[tilespmem:s24+$0x420] =	vst v53  }
0x2bc: {  	v55 =	vld.idx.msk [tilespmem:v48+s25+$0x0], $0xffff;
	[tilespmem:s30+$0x430] =	vst v59;
	v59 =	vor.u32 v24, v45  }
0x2bd: {  	v52 =	vadd.s32 v31, v39;
	v57 =	vld.idx.msk [tilespmem:v57+s25+$0x0], $0xffff  }
0x2be: {  	v54 =	vor.u32 v19, v47;
	[tilespmem:s31+$0x20] =	vst v61;
	v53 =	vld.idx.msk [tilespmem:v63+s25+$0x0], $0xffff  }
0x2bf: {  	s11 =	simm.s32 $0x9;
	s0 =	simm.s32 $0xA;
	v51 =	vor.u32 v22, v46;
	[tilespmem:s3+$0x20] =	vst v62;
	v56 =	vld.idx.msk [tilespmem:v56+s25+$0x0], $0xffff  }
.LBB2_9:
0x2c0: {  	p0 =	slt.u32 s0, $0x3E;
	v48 =	vmov s11;
	v60 =	vld.idx.msk [tilespmem:v60+s25+$0x0], $0xffff;
	v61 =	vadd.s32 v36, v40;
	[tilespmem:s29+$0x450] =	vst v49  }
0x2c1: {  	v62 =	vor.u32 v13, v42;
	v49 =	vshrl.u32 v48, $0x3;
	[tilespmem:s26+$0x70] =	vst v58;
	v58 =	vld.idx.msk [tilespmem:v59+s25+$0x0], $0xffff  }
0x2c2: {  	v48 =	vshll.u32 v48, $0x7;
	v59 =	vor.u32 v13, v43;
	v49 =	vmul.u32 $0xC00, v49;
	[tilespmem:s28+$0x70] =	vst v55;
	v52 =	vld.idx.msk [tilespmem:v52+s25+$0x0], $0xffff  }
0x2c3: {  	v48 =	vand.u32 $0x380, v48;
	v55 =	vor.u32 v25, v45;
	v45 =	vmov v46;
	v54 =	vld.idx.msk [tilespmem:v54+s25+$0x0], $0xffff;
	[tilespmem:s24+$0x430] =	vst v57  }
0x2c4: {  	v46 =	vor.u32 v48, v49;
	v48 =	vadd.s32 v32, v39;
	v49 =	vld.idx.msk [tilespmem:v51+s25+$0x0], $0xffff;
	[tilespmem:s30+$0x440] =	vst v53  }
0x2c5: {  	v51 =	vor.u32 v0, v46;
	[tilespmem:s31+$0x30] =	vst v56;
	v53 =	vld.idx.msk [tilespmem:v61+s25+$0x0], $0xffff  }
0x2c6: {  	v47 =	vor.u32 v20, v47;
	[tilespmem:s3+$0x30] =	vst v60;
	v56 =	vld.idx.msk [tilespmem:v62+s25+$0x0], $0xffff  }
0x2c7: {  	v57 =	vld.idx.msk [tilespmem:v59+s25+$0x0], $0xffff;
	v59 =	vadd.s32 v37, v40;
	[tilespmem:s29+$0x460] =	vst v58  }
0x2c8: {  	v60 =	vadd.s32 v28, v42;
	v58 =	vadd.s32 v16, v43;
	[tilespmem:s26+$0x400] =	vst v52;
	v52 =	vld.idx.msk [tilespmem:v55+s25+$0x0], $0xffff  }
0x2c9: {  	v55 =	vadd.s32 v15, v58;
	[tilespmem:s28+$0x400] =	vst v54;
	v48 =	vld.idx.msk [tilespmem:v48+s25+$0x0], $0xffff  }
0x2ca: {  	v51 =	vld.idx.msk [tilespmem:v51+s25+$0x0], $0xffff;
	[tilespmem:s24+$0x440] =	vst v49;
	v49 =	vor.u32 v23, v45  }
0x2cb: {  	v58 =	vadd.s32 v33, v39;
	v54 =	vld.idx.msk [tilespmem:v47+s25+$0x0], $0xffff;
	[tilespmem:s30+$0x450] =	vst v53  }
0x2cc: {  	s8 =	sadd.s32 $0x200, s8;
	v53 =	vor.u32 v10, v46;
	[tilespmem:s31+$0x40] =	vst v56;
	v56 =	vld.idx.msk [tilespmem:v59+s25+$0x0], $0xffff  }
0x2cd: {  	s10 =	sadd.s32 $0x100, s10;
	s11 =	sand.u32 $0x3800, s8;
	v59 =	vor.u32 v10, v44;
	[tilespmem:s3+$0x40] =	vst v57;
	v57 =	vld.idx.msk [tilespmem:v60+s25+$0x0], $0xffff  }
0x2ce: {  	s12 =	sadd.s32 $0xFFFFFF80, s10;
	s13 =	sand.u32 $0x380, s10;
	s11 =	sor.u32 $0x10100, s11;
	v60 =	vadd.s32 v38, v40;
	v40 =	vmovc v39;
	v39 =	vmov v42;
	v42 =	vmov v46;
	v55 =	vld.idx.msk [tilespmem:v55+s25+$0x0], $0xffff;
	[tilespmem:s29+$0x470] =	vst v52  }
0x2cf: {  	s12 =	sand.u32 $0x300, s12;
	s13 =	sadd.s32 s13, s11;
	v47 =	vadd.s32 $0x400, v43;
	v46 =	vadd.s32 v29, v39;
	s29 =	smov.u32 s24;
	[tilespmem:s26+$0x410] =	vst v48;
	v49 =	vld.idx.msk [tilespmem:v49+s25+$0x0], $0xffff  }
0x2d0: {  	v52 =	vadd.s32 v21, v41;
	s24 =	smov.u32 s28;
	s28 =	smov.u32 s3;
	s3 =	sadd.s32 s12, s11;
	v48 =	vmov s0;
	[tilespmem:s13+$0x0] =	vst v51;
	v51 =	vor.u32 v17, v47;
	v58 =	vld.idx.msk [tilespmem:v58+s25+$0x0], $0xffff  }
0x2d1: {  	v52 =	vadd.s32 v14, v52;
	v61 =	vshrl.u32 v48, $0x3;
	[tilespmem:s3+$0x0] =	vst v50;
	v50 =	vld.idx.msk [tilespmem:v53+s25+$0x0], $0xffff  }
0x2d2: {  	v48 =	vshll.u32 v48, $0x7;
	v53 =	vmul.u32 $0xC00, v61;
	v61 =	vadd.s32 v34, v40;
	v59 =	vld.idx.msk [tilespmem:v59+s25+$0x0], $0xffff;
	[tilespmem:s30+$0x460] =	vst v56  }
0x2d3: {  	v48 =	vand.u32 $0x300, v48;
	v56 =	vor.u32 v11, v42;
	[tilespmem:s31+$0x50] =	vst v57;
	v57 =	vld.idx.msk [tilespmem:v60+s25+$0x0], $0xffff  }
0x2d4: {  	v48 =	vor.u32 v48, v53;
	v53 =	vor.u32 v11, v44;
	[tilespmem:s28+$0x50] =	vst v55;
	v55 =	vld.idx.msk [tilespmem:v46+s25+$0x0], $0xffff  }
0x2d5: {  	v60 =	vor.u32 v0, v48;
	v51 =	vld.idx.msk [tilespmem:v51+s25+$0x0], $0xffff;
	[tilespmem:s24+$0x410] =	vst v54  }
0x2d6: {  	v54 =	vadd.s32 v30, v39;
	v52 =	vld.idx.msk [tilespmem:v52+s25+$0x0], $0xffff;
	[tilespmem:s26+$0x420] =	vst v58  }
0x2d7: {  	v62 =	vor.u32 v18, v47;
	v46 =	vadd.s32 $0x800, v41;
	v41 =	vmovc v43;
	v43 =	vmov v44;
	[tilespmem:s13+$0x10] =	vst v50;
	v61 =	vld.idx.msk [tilespmem:v61+s25+$0x0], $0xffff  }
0x2d8: {  	v44 =	vmov v48;
	v63 =	vor.u32 v27, v46;
	[tilespmem:s3+$0x10] =	vst v59;
	v56 =	vld.idx.msk [tilespmem:v56+s25+$0x0], $0xffff  }
0x2d9: {  	v48 =	vld.idx.msk [tilespmem:v53+s25+$0x0], $0xffff;
	v53 =	vadd.s32 v35, v40;
	[tilespmem:s30+$0x470] =	vst v57;
	s30 =	smov.u32 s26;
	s26 =	smov.u32 s31;
	s31 =	smov.u32 s13  }
0x2da: {  	v3 =	vor.u32 v12, v42;
	v50 =	vld.idx.msk [tilespmem:v60+s25+$0x0], $0xffff;
	[tilespmem:s26+$0x60] =	vst v55  }
.Ltmp4:
0x2db: {  	v60 =	vor.u32 v12, v43;
	[tilespmem:s28+$0x60] =	vst v51;
	v58 =	vld.idx.msk [tilespmem:v54+s25+$0x0], $0xffff;
	(pc) =	sbr.rel @p0 .LBB2_9-.Ltmp4, $4  }
0x2dc: {  	v59 =	vor.u32 v24, v45;
	v55 =	vld.idx.msk [tilespmem:v62+s25+$0x0], $0xffff;
	[tilespmem:s24+$0x420] =	vst v52  }
0x2dd: {  	v52 =	vadd.s32 v31, v39;
	v57 =	vld.idx.msk [tilespmem:v63+s25+$0x0], $0xffff;
	[tilespmem:s30+$0x430] =	vst v61  }
0x2de: {  	v54 =	vor.u32 v19, v47;
	[tilespmem:s31+$0x20] =	vst v56;
	v53 =	vld.idx.msk [tilespmem:v53+s25+$0x0], $0xffff  }
0x2df: {  	s11 =	sadd.s32 $0x1, s0;
	s0 =	sadd.s32 $0x2, s0;
	v51 =	vor.u32 v22, v46;
	[tilespmem:s3+$0x20] =	vst v48;
	v56 =	vld.idx.msk [tilespmem:v3+s25+$0x0], $0xffff  }
0x2e0: {  	v3 =	vmov s11  }
0x2e1: {  	v48 =	vshrl.u32 v3, $0x3  }
0x2e2: {  	v3 =	vshll.u32 v3, $0x7;
	v48 =	vmul.u32 $0xC00, v48  }
0x2e3: {  	v3 =	vand.u32 $0x380, v3  }
0x2e4: {  	v48 =	vor.u32 v3, v48  }
0x2e5: {  	v3 =	vor.u32 v0, v48;
	_ =	sdelay $0x4  }
0x2e6: {  	v3 =	vld.idx.msk [tilespmem:v3+s25+$0x0], $0xffff  }
0x2e7: {  	s0 =	sadd.s32 $0x200, s8;
	v61 =	vor.u32 v10, v48  }
0x2e8: {  	v62 =	vor.u32 v10, v44;
	s14 =	sadd.s32 $0x100, s10;
	s0 =	sand.u32 $0x3800, s0  }
0x2e9: {  	s10 =	sadd.s32 $0xFFFFFF80, s14;
	s8 =	sand.u32 $0x380, s14;
	s0 =	sor.u32 $0x10100, s0  }
0x2ea: {  	s10 =	sand.u32 $0x300, s10;
	s8 =	sadd.s32 s8, s0  }
0x2eb: {  	s0 =	sadd.s32 s10, s0;
	[tilespmem:s8+$0x0] =	vst v3  }
0x2ec: {  	[tilespmem:s0+$0x0] =	vst v50;
	v3 =	vld.idx.msk [tilespmem:v61+s25+$0x0], $0xffff  }
0x2ed: {  	v50 =	vld.idx.msk [tilespmem:v62+s25+$0x0], $0xffff;
	v61 =	vor.u32 v11, v48  }
0x2ee: {  	v62 =	vor.u32 v11, v44;
	_ =	sdelay $0x1  }
0x2ef: {  	[tilespmem:s28+$0x70] =	vst v55  }
0x2f0: {  	v55 =	vld.idx.msk [tilespmem:v60+s25+$0x0], $0xffff;
	[tilespmem:s8+$0x10] =	vst v3  }
0x2f1: {  	[tilespmem:s0+$0x10] =	vst v50;
	v3 =	vld.idx.msk [tilespmem:v61+s25+$0x0], $0xffff  }
0x2f2: {  	v61 =	vld.idx.msk [tilespmem:v62+s25+$0x0], $0xffff;
	v62 =	vor.u32 v12, v48  }
0x2f3: {  	[tilespmem:s29+$0x450] =	vst v49;
	v63 =	vor.u32 v12, v44  }
0x2f4: {  	[tilespmem:s26+$0x70] =	vst v58  }
0x2f5: {  	v60 =	vor.u32 v13, v42;
	[tilespmem:s3+$0x30] =	vst v55  }
0x2f6: {  	v59 =	vld.idx.msk [tilespmem:v59+s25+$0x0], $0xffff;
	[tilespmem:s8+$0x20] =	vst v3;
	v3 =	vor.u32 v13, v43  }
0x2f7: {  	v55 =	vadd.s32 v36, v40;
	[tilespmem:s0+$0x20] =	vst v61;
	v49 =	vld.idx.msk [tilespmem:v62+s25+$0x0], $0xffff  }
0x2f8: {  	[tilespmem:s24+$0x430] =	vst v57;
	v61 =	vld.idx.msk [tilespmem:v63+s25+$0x0], $0xffff;
	v62 =	vor.u32 v13, v48  }
0x2f9: {  	v52 =	vld.idx.msk [tilespmem:v52+s25+$0x0], $0xffff;
	[tilespmem:s31+$0x30] =	vst v56;
	v63 =	vor.u32 v13, v44  }
0x2fa: {  	[tilespmem:s30+$0x440] =	vst v53;
	v57 =	vld.idx.msk [tilespmem:v60+s25+$0x0], $0xffff  }
0x2fb: {  	[tilespmem:s29+$0x460] =	vst v59;
	v60 =	vadd.s32 v16, v43;
	v59 =	vadd.s32 v28, v42;
	v3 =	vld.idx.msk [tilespmem:v3+s25+$0x0], $0xffff  }
0x2fc: {  	v45 =	vor.u32 v25, v45;
	[tilespmem:s8+$0x30] =	vst v49;
	v49 =	vadd.s32 v15, v60;
	v60 =	vld.idx.msk [tilespmem:v55+s25+$0x0], $0xffff  }
0x2fd: {  	[tilespmem:s0+$0x30] =	vst v61;
	v50 =	vld.idx.msk [tilespmem:v62+s25+$0x0], $0xffff  }
0x2fe: {  	[tilespmem:s26+$0x400] =	vst v52;
	v61 =	vld.idx.msk [tilespmem:v63+s25+$0x0], $0xffff;
	v62 =	vadd.s32 v16, v44;
	v63 =	vadd.s32 v28, v48  }
0x2ff: {  	v54 =	vld.idx.msk [tilespmem:v54+s25+$0x0], $0xffff;
	[tilespmem:s31+$0x40] =	vst v57;
	v53 =	vadd.s32 v15, v62  }
0x300: {  	v55 =	vadd.s32 v32, v39;
	[tilespmem:s3+$0x40] =	vst v3;
	v3 =	vld.idx.msk [tilespmem:v59+s25+$0x0], $0xffff  }
0x301: {  	v58 =	vadd.s32 v29, v42;
	v45 =	vld.idx.msk [tilespmem:v45+s25+$0x0], $0xffff;
	[tilespmem:s30+$0x450] =	vst v60  }
0x302: {  	v57 =	vadd.s32 $0x400, v43;
	v49 =	vld.idx.msk [tilespmem:v49+s25+$0x0], $0xffff;
	v60 =	vadd.s32 v37, v40;
	[tilespmem:s8+$0x40] =	vst v50  }
0x303: {  	v50 =	vor.u32 v17, v57;
	[tilespmem:s0+$0x40] =	vst v61;
	v52 =	vld.idx.msk [tilespmem:v63+s25+$0x0], $0xffff  }
0x304: {  	[tilespmem:s28+$0x400] =	vst v54;
	v62 =	vadd.s32 v29, v48;
	v61 =	vld.idx.msk [tilespmem:v53+s25+$0x0], $0xffff;
	v53 =	vadd.s32 $0x400, v44  }
0x305: {  	v55 =	vld.idx.msk [tilespmem:v55+s25+$0x0], $0xffff;
	v63 =	vor.u32 v17, v53;
	[tilespmem:s31+$0x50] =	vst v3  }
0x306: {  	[tilespmem:s29+$0x470] =	vst v45;
	v3 =	vor.u32 v20, v47;
	v47 =	vld.idx.msk [tilespmem:v58+s25+$0x0], $0xffff  }
0x307: {  	[tilespmem:s3+$0x50] =	vst v49;
	v56 =	vld.idx.msk [tilespmem:v60+s25+$0x0], $0xffff;
	v60 =	vadd.s32 v33, v39  }
0x308: {  	v49 =	vld.idx.msk [tilespmem:v50+s25+$0x0], $0xffff;
	v50 =	vadd.s32 v30, v42;
	[tilespmem:s8+$0x50] =	vst v52  }
0x309: {  	v52 =	vor.u32 v18, v57;
	[tilespmem:s0+$0x50] =	vst v61;
	v61 =	vld.idx.msk [tilespmem:v62+s25+$0x0], $0xffff  }
0x30a: {  	[tilespmem:s26+$0x410] =	vst v55;
	v45 =	vld.idx.msk [tilespmem:v63+s25+$0x0], $0xffff;
	v62 =	vadd.s32 v30, v48  }
0x30b: {  	v63 =	vor.u32 v18, v53;
	v3 =	vld.idx.msk [tilespmem:v3+s25+$0x0], $0xffff;
	[tilespmem:s31+$0x60] =	vst v47  }
0x30c: {  	[tilespmem:s30+$0x460] =	vst v56;
	v60 =	vld.idx.msk [tilespmem:v60+s25+$0x0], $0xffff  }
0x30d: {  	v40 =	vadd.s32 v38, v40;
	[tilespmem:s3+$0x60] =	vst v49;
	v47 =	vld.idx.msk [tilespmem:v50+s25+$0x0], $0xffff  }
0x30e: {  	v50 =	vadd.s32 v31, v42;
	v49 =	vld.idx.msk [tilespmem:v52+s25+$0x0], $0xffff;
	[tilespmem:s8+$0x60] =	vst v61  }
0x30f: {  	v61 =	vor.u32 v19, v57;
	[tilespmem:s0+$0x60] =	vst v45;
	v62 =	vld.idx.msk [tilespmem:v62+s25+$0x0], $0xffff  }
0x310: {  	v54 =	vadd.s32 v31, v48;
	v52 =	vld.idx.msk [tilespmem:v63+s25+$0x0], $0xffff;
	[tilespmem:s28+$0x410] =	vst v3  }
0x311: {  	v51 =	vld.idx.msk [tilespmem:v51+s25+$0x0], $0xffff;
	v63 =	vadd.s32 v21, v41;
	v3 =	vor.u32 v19, v53;
	[tilespmem:s26+$0x420] =	vst v60  }
0x312: {  	v40 =	vld.idx.msk [tilespmem:v40+s25+$0x0], $0xffff;
	v55 =	vadd.s32 v14, v63;
	[tilespmem:s31+$0x70] =	vst v47  }
0x313: {  	v60 =	vor.u32 v23, v46;
	[tilespmem:s3+$0x70] =	vst v49;
	v58 =	vld.idx.msk [tilespmem:v50+s25+$0x0], $0xffff  }
0x314: {  	v59 =	vld.idx.msk [tilespmem:v61+s25+$0x0], $0xffff;
	v61 =	vadd.s32 v32, v42;
	[tilespmem:s8+$0x70] =	vst v62  }
0x315: {  	v62 =	vor.u32 v20, v57;
	[tilespmem:s0+$0x70] =	vst v52;
	v63 =	vld.idx.msk [tilespmem:v54+s25+$0x0], $0xffff  }
0x316: {  	[tilespmem:s24+$0x440] =	vst v51;
	v3 =	vld.idx.msk [tilespmem:v3+s25+$0x0], $0xffff;
	v54 =	vadd.s32 v32, v48  }
0x317: {  	[tilespmem:s30+$0x470] =	vst v40;
	v40 =	vor.u32 v20, v53;
	v55 =	vld.idx.msk [tilespmem:v55+s25+$0x0], $0xffff  }
0x318: {  	v41 =	vadd.s32 $0x800, v41;
	v47 =	vadd.s32 v34, v39;
	v53 =	vld.idx.msk [tilespmem:v60+s25+$0x0], $0xffff;
	[tilespmem:s31+$0x400] =	vst v58  }
0x319: {  	v49 =	vor.u32 v27, v41;
	[tilespmem:s3+$0x400] =	vst v59;
	v61 =	vld.idx.msk [tilespmem:v61+s25+$0x0], $0xffff  }
0x31a: {  	v51 =	vadd.s32 v33, v42;
	v45 =	vld.idx.msk [tilespmem:v62+s25+$0x0], $0xffff;
	v62 =	vadd.s32 v21, v43;
	[tilespmem:s8+$0x400] =	vst v63  }
0x31b: {  	v63 =	vadd.s32 v14, v62;
	[tilespmem:s0+$0x400] =	vst v3;
	v3 =	vld.idx.msk [tilespmem:v54+s25+$0x0], $0xffff  }
0x31c: {  	v57 =	vadd.s32 v33, v48;
	v58 =	vadd.s32 v21, v44;
	[tilespmem:s28+$0x420] =	vst v55;
	v40 =	vld.idx.msk [tilespmem:v40+s25+$0x0], $0xffff  }
0x31d: {  	v47 =	vld.idx.msk [tilespmem:v47+s25+$0x0], $0xffff;
	v59 =	vadd.s32 v14, v58;
	[tilespmem:s24+$0x450] =	vst v53  }
0x31e: {  	v60 =	vadd.s32 v35, v39;
	v49 =	vld.idx.msk [tilespmem:v49+s25+$0x0], $0xffff;
	[tilespmem:s31+$0x410] =	vst v61  }
0x31f: {  	v61 =	vor.u32 v24, v46;
	v51 =	vld.idx.msk [tilespmem:v51+s25+$0x0], $0xffff;
	[tilespmem:s3+$0x410] =	vst v45  }
0x320: {  	v43 =	vadd.s32 $0x800, v43;
	v62 =	vadd.s32 v34, v42;
	v52 =	vld.idx.msk [tilespmem:v63+s25+$0x0], $0xffff;
	[tilespmem:s8+$0x410] =	vst v3  }
0x321: {  	v3 =	vor.u32 v27, v43;
	[tilespmem:s0+$0x410] =	vst v40;
	v54 =	vld.idx.msk [tilespmem:v57+s25+$0x0], $0xffff  }
0x322: {  	v44 =	vadd.s32 $0x800, v44;
	[tilespmem:s26+$0x430] =	vst v47;
	v63 =	vadd.s32 v34, v48;
	v47 =	vld.idx.msk [tilespmem:v59+s25+$0x0], $0xffff  }
0x323: {  	v58 =	vor.u32 v27, v44;
	[tilespmem:s28+$0x430] =	vst v49;
	v57 =	vld.idx.msk [tilespmem:v60+s25+$0x0], $0xffff  }
0x324: {  	v59 =	vor.u32 v22, v41;
	v50 =	vld.idx.msk [tilespmem:v61+s25+$0x0], $0xffff;
	[tilespmem:s31+$0x420] =	vst v51  }
0x325: {  	v60 =	vadd.s32 v36, v39;
	v45 =	vld.idx.msk [tilespmem:v62+s25+$0x0], $0xffff;
	[tilespmem:s3+$0x420] =	vst v52  }
0x326: {  	v61 =	vadd.s32 v35, v42;
	v3 =	vld.idx.msk [tilespmem:v3+s25+$0x0], $0xffff;
	[tilespmem:s8+$0x420] =	vst v54  }
0x327: {  	v62 =	vor.u32 v22, v43;
	[tilespmem:s0+$0x420] =	vst v47;
	v40 =	vld.idx.msk [tilespmem:v63+s25+$0x0], $0xffff  }
0x328: {  	[tilespmem:s26+$0x440] =	vst v57;
	v63 =	vadd.s32 v35, v48;
	v49 =	vld.idx.msk [tilespmem:v58+s25+$0x0], $0xffff  }
0x329: {  	v57 =	vld.idx.msk [tilespmem:v59+s25+$0x0], $0xffff;
	[tilespmem:s24+$0x460] =	vst v50;
	v58 =	vor.u32 v22, v44  }
0x32a: {  	v59 =	vor.u32 v25, v46;
	v51 =	vld.idx.msk [tilespmem:v60+s25+$0x0], $0xffff;
	[tilespmem:s31+$0x430] =	vst v45  }
0x32b: {  	v60 =	vor.u32 v23, v41;
	v52 =	vld.idx.msk [tilespmem:v61+s25+$0x0], $0xffff;
	[tilespmem:s3+$0x430] =	vst v3  }
0x32c: {  	v3 =	vadd.s32 v36, v42;
	v54 =	vld.idx.msk [tilespmem:v62+s25+$0x0], $0xffff;
	[tilespmem:s8+$0x430] =	vst v40  }
0x32d: {  	v61 =	vor.u32 v23, v43;
	[tilespmem:s0+$0x430] =	vst v49;
	v47 =	vld.idx.msk [tilespmem:v63+s25+$0x0], $0xffff  }
0x32e: {  	[tilespmem:s28+$0x440] =	vst v57;
	v62 =	vadd.s32 v36, v48;
	v50 =	vld.idx.msk [tilespmem:v58+s25+$0x0], $0xffff  }
0x32f: {  	v46 =	vld.idx.msk [tilespmem:v59+s25+$0x0], $0xffff;
	[tilespmem:s26+$0x450] =	vst v51;
	v63 =	vor.u32 v23, v44  }
0x330: {  	v57 =	vadd.s32 v37, v39;
	v45 =	vld.idx.msk [tilespmem:v60+s25+$0x0], $0xffff;
	[tilespmem:s31+$0x440] =	vst v52  }
0x331: {  	v58 =	vor.u32 v24, v41;
	v3 =	vld.idx.msk [tilespmem:v3+s25+$0x0], $0xffff;
	[tilespmem:s3+$0x440] =	vst v54  }
0x332: {  	v59 =	vadd.s32 v37, v42;
	v40 =	vld.idx.msk [tilespmem:v61+s25+$0x0], $0xffff;
	[tilespmem:s8+$0x440] =	vst v47  }
0x333: {  	v60 =	vor.u32 v24, v43;
	[tilespmem:s0+$0x440] =	vst v50;
	v49 =	vld.idx.msk [tilespmem:v62+s25+$0x0], $0xffff  }
0x334: {  	[tilespmem:s24+$0x470] =	vst v46;
	v61 =	vadd.s32 v37, v48;
	v50 =	vld.idx.msk [tilespmem:v63+s25+$0x0], $0xffff  }
0x335: {  	[tilespmem:s28+$0x450] =	vst v45;
	v62 =	vld.idx.msk [tilespmem:v57+s25+$0x0], $0xffff;
	v63 =	vor.u32 v24, v44  }
0x336: {  	v56 =	vadd.s32 v38, v39;
	v52 =	vld.idx.msk [tilespmem:v58+s25+$0x0], $0xffff;
	[tilespmem:s31+$0x450] =	vst v3  }
0x337: {  	v3 =	vor.u32 v25, v41;
	v57 =	vld.idx.msk [tilespmem:v59+s25+$0x0], $0xffff;
	[tilespmem:s3+$0x450] =	vst v40  }
0x338: {  	v58 =	vadd.s32 v38, v42;
	v59 =	vld.idx.msk [tilespmem:v60+s25+$0x0], $0xffff;
	[tilespmem:s8+$0x450] =	vst v49  }
0x339: {  	v43 =	vor.u32 v25, v43;
	[tilespmem:s0+$0x450] =	vst v50;
	v46 =	vld.idx.msk [tilespmem:v61+s25+$0x0], $0xffff  }
0x33a: {  	v60 =	vadd.s32 v38, v48;
	[tilespmem:s26+$0x460] =	vst v62;
	v45 =	vld.idx.msk [tilespmem:v63+s25+$0x0], $0xffff  }
0x33b: {  	v44 =	vor.u32 v25, v44;
	[tilespmem:s28+$0x460] =	vst v52;
	v39 =	vld.idx.msk [tilespmem:v56+s25+$0x0], $0xffff  }
0x33c: {  	v3 =	vld.idx.msk [tilespmem:v3+s25+$0x0], $0xffff;
	[tilespmem:s31+$0x460] =	vst v57  }
0x33d: {  	v40 =	vld.idx.msk [tilespmem:v58+s25+$0x0], $0xffff;
	[tilespmem:s3+$0x460] =	vst v59  }
0x33e: {  	v61 =	vld.idx.msk [tilespmem:v43+s25+$0x0], $0xffff;
	[tilespmem:s8+$0x460] =	vst v46  }
0x33f: {  	[tilespmem:s0+$0x460] =	vst v45;
	v62 =	vld.idx.msk [tilespmem:v60+s25+$0x0], $0xffff  }
0x340: {  	s22 =	sadd.s32 $0x1, s22;
	[tilespmem:s26+$0x470] =	vst v39;
	v63 =	vld.idx.msk [tilespmem:v44+s25+$0x0], $0xffff  }
0x341: {  	p0 =	sne.s32 s22, $0x30;
	[tilespmem:s28+$0x470] =	vst v3  }
.Ltmp5:
0x342: {  	s29 =	sshll.u32 s23, $0xE;
	[tilespmem:s31+$0x470] =	vst v40;
	(pc) =	sbr.rel @p0 .LBB2_2-.Ltmp5, $4  }
0x343: {  	s30 =	sadd.s32 s7, s29;
	[tilespmem:s3+$0x470] =	vst v61  }
0x344: {  	s3 =	sshrl.u32 s30, $0x3;
	[tilespmem:s8+$0x470] =	vst v62  }
0x345: {  	s31 =	sadd.s32 s4, s3;
	[tilespmem:s0+$0x470] =	vst v63  }
0x346: {  	[hbm4b:s31+s5] =	stream.linear.scatter [tilespmem:s21], [sflag:$0x4], $0x4000, $0x38;
	[tilespmem:$0x14100] =	vst v63  }
0x347: {  	s0 =	simm.s32 $0x3  }
0x348: {  	_ =	swait.ge [sflag:s0], $0x4000  }
0x349: {  	[sflag:s0] =	ssyncset.done $0x0  }
0x34a: {  	[sflag:s0] =	ssyncadd.s32 $0xFFFFC000  }
0x34b: {  	_ =	swait.ge [sflag:s20], $0x4000  }
0x34c: {  	s3 =	rddreg [dreg:$0x4]  }
0x34d: {  	s31 =	rddreg [dreg:$0x3];
	s3 =	sadd.s32 $0x1, s3  }
0x34e: {  	p0 =	sne.s32 s3, s31  }
.Ltmp6:
0x34f: {  	_ = 	snop;
	(pc) =	sbr.rel @p0 .LBB2_1-.Ltmp6, $3  }
0x350: {  	_ =	sdelay $0x1  }
0x351: {  	[sflag:s20] =	ssyncset.done $0x0  }
0x352: {  	[sflag:s20] =	ssyncadd.s32 $0xFFFFC000  }
0x353: {  	_ =	sfence.sel $0x180000  }
0x354: {  	[bflag:$0x0] =	sbarrier.arrive $0xFFFF  }
0x355: {  	_ =	strace $0x90000047  }
0x356: {  	s0 =	stileid.u32;
	[bflag:$0x2] =	sbarrier.arrive $0xFFFF  }
0x357: {  	p0 =	sne.s32 s0, $0x0;
	s0 =	rddreg [dreg:$0x2]  }
0x358: {  	s0 =	sadd.s32 @!p0 $0x100000, s0  }
0x359: {  	[sflag:s0] =	ssyncadd.tile.s32 @!p0 $0x1;
	_ =	shalt  }
.Lfunc_end2:
_tile_overlayer_lowered:
.L_overlay_start_2:
0x35a: {  	(tag) =	ssettag $0x2  }
0x35b: {  	s0 =	rddreg [dreg:$0x0];
	s2 =	stileid.u32  }
0x35c: {  	s1 =	rddreg [dreg:$0x1];
	p0 =	sne.s32 s2, $0x0  }
0x35d: {  	s3 =	rddreg [dreg:$0x2];
	[bflag:$0x3] =	sbarrier.arrive $0xFFFF;
	s2 =	simm.s32 @!p0 $0x1C05  }
0x35e: {  	[timem:s3], [sflag:s2] =	dma.local @!p0 [hbm:s0], s1  }
0x35f: {  	s0 =	simm.s32 @!p0 $0x5  }
0x360: {  	_ =	swait.ge @!p0 [sflag:s0], s1  }
0x361: {  	s1 =	ssub.s32 @!p0 $0x0, s1;
	[sflag:s0] =	ssyncset.done @!p0 $0x0  }
0x362: {  	[sflag:s0] =	ssyncadd.s32 @!p0 s1  }
0x363: {  	[bflag:$0x3] =	sbarrier.arrive $0xFFFF  }
0x364: {  	_ =	shalt  }

</sc_bundles>
